<compile_context>
chip_gen: v7x
topology: tpu7x:2x2x1
jax: 0.10.2.dev20260603
libtpu: 0.0.44.dev20260713+nightly
codegen_flags: <defaults>
</compile_context>

<pallas_src>
import functools

import jax
import jax.numpy as jnp
from jax import lax
from jax.experimental import pallas as pl
from jax.experimental.pallas import tpu as pltpu
from jax.experimental.pallas import tpu_sc as plsc

N = 10000
E = 320000
D = 128
EPS = 1e-5

NUM_CORES = 2
NUM_SUBCORES = 16
NUM_WORKERS = NUM_CORES * NUM_SUBCORES
CHUNK = 128
NCHUNKS = E // CHUNK
BASE_CHUNKS = NCHUNKS // NUM_WORKERS
EXTRA_TILES = NCHUNKS - BASE_CHUNKS * NUM_WORKERS
PHASE_A = 40
PHASE_B_MAX = BASE_CHUNKS + 1 - PHASE_A
STRIPE = 624
LAST_STRIPE = N - 15 * STRIPE
ZROWS = 16


def _sc_segment_sum(eidx, h):
    mesh = plsc.VectorSubcoreMesh(
        core_axis_name="c", subcore_axis_name="s")

    @functools.partial(
        pl.kernel,
        out_type=jax.ShapeDtypeStruct((NUM_CORES, N, D), jnp.float32),
        mesh=mesh,
        compiler_params=pltpu.CompilerParams(use_tc_tiling_on_sc=False),
        scratch_types=[
            pltpu.VMEM_SHARED((N, D), jnp.float32),
            pltpu.VMEM((PHASE_A, CHUNK), jnp.int32),
            pltpu.VMEM((PHASE_A, CHUNK), jnp.int32),
            pltpu.VMEM((CHUNK, D), jnp.float32),
            pltpu.VMEM((CHUNK, D), jnp.float32),
            pltpu.VMEM((ZROWS, D), jnp.float32),
            pltpu.SemaphoreType.DMA,
            pltpu.SemaphoreType.DMA,
        ],
    )
    def seg_sum(eidx_hbm, h_hbm, out_hbm,
                accum, src_v, dst_v, buf0, buf1, zbuf, sem0, sem1):
        cid = lax.axis_index("c")
        sid = lax.axis_index("s")
        wid = cid * NUM_SUBCORES + sid
        start = wid * BASE_CHUNKS + jnp.minimum(wid, EXTRA_TILES)
        has_extra = wid < EXTRA_TILES

        zvec = jnp.zeros((16,), jnp.float32)

        def zfill(i, carry):
            for l in range(D // 16):
                zbuf[i, pl.ds(l * 16, 16)] = zvec
            return carry

        lax.fori_loop(0, ZROWS, zfill, 0)
        for z in range(LAST_STRIPE // ZROWS):
            pltpu.async_copy(
                zbuf, accum.at[pl.ds(sid * STRIPE + z * ZROWS, ZROWS)], sem0)
        for z in range(LAST_STRIPE // ZROWS):
            pltpu.make_async_copy(
                zbuf, accum.at[pl.ds(sid * STRIPE + z * ZROWS, ZROWS)],
                sem0).wait()

        plsc.subcore_barrier()

        def src_at(j):
            return src_v.at[j]

        def dst_at(j):
            return dst_v.at[j]

        def make_body(nb):
            def body(i, carry):
                j0 = 2 * i
                pltpu.make_async_copy(
                    h_hbm.at[src_at(j0)], buf0, sem0).wait()
                pltpu.sync_copy(buf0, accum.at[dst_at(j0)], add=True)

                @pl.when(j0 + 2 < nb)
                def _():
                    pltpu.async_copy(h_hbm.at[src_at(j0 + 2)], buf0, sem0)

                j1 = j0 + 1
                pltpu.make_async_copy(
                    h_hbm.at[src_at(j1)], buf1, sem1).wait()
                pltpu.sync_copy(buf1, accum.at[dst_at(j1)], add=True)

                @pl.when(j1 + 2 < nb)
                def _():
                    pltpu.async_copy(h_hbm.at[src_at(j1 + 2)], buf1, sem1)

                return carry
            return body

        pltpu.sync_copy(eidx_hbm.at[pl.ds(start, PHASE_A)], src_v)
        pltpu.sync_copy(eidx_hbm.at[pl.ds(NCHUNKS + start, PHASE_A)], dst_v)
        pltpu.async_copy(h_hbm.at[src_at(0)], buf0, sem0)
        pltpu.async_copy(h_hbm.at[src_at(1)], buf1, sem1)
        lax.fori_loop(0, PHASE_A // 2, make_body(PHASE_A), 0)

        eb = start + PHASE_A
        nbm1 = PHASE_B_MAX - 1
        pltpu.sync_copy(eidx_hbm.at[pl.ds(eb, nbm1)],
                        src_v.at[pl.ds(0, nbm1)])
        pltpu.sync_copy(eidx_hbm.at[pl.ds(NCHUNKS + eb, nbm1)],
                        dst_v.at[pl.ds(0, nbm1)])

        @pl.when(has_extra)
        def _():
            pltpu.sync_copy(eidx_hbm.at[pl.ds(eb + nbm1, 1)],
                            src_v.at[pl.ds(nbm1, 1)])
            pltpu.sync_copy(eidx_hbm.at[pl.ds(NCHUNKS + eb + nbm1, 1)],
                            dst_v.at[pl.ds(nbm1, 1)])

        nb = jnp.where(has_extra, PHASE_B_MAX, PHASE_B_MAX - 1)
        pltpu.async_copy(h_hbm.at[src_at(0)], buf0, sem0)
        pltpu.async_copy(h_hbm.at[src_at(1)], buf1, sem1)
        lax.fori_loop(0, (PHASE_B_MAX - 1) // 2, make_body(nb), 0)

        @pl.when(has_extra)
        def _():
            j = PHASE_B_MAX - 1
            pltpu.make_async_copy(h_hbm.at[src_at(j)], buf0, sem0).wait()
            pltpu.sync_copy(buf0, accum.at[dst_at(j)], add=True)

        plsc.subcore_barrier()

        pltpu.sync_copy(
            accum.at[pl.ds(sid * STRIPE, STRIPE)],
            out_hbm.at[cid, pl.ds(sid * STRIPE, STRIPE)])

        @pl.when(sid == NUM_SUBCORES - 1)
        def _():
            pltpu.sync_copy(
                accum.at[pl.ds(15 * STRIPE + STRIPE, LAST_STRIPE - STRIPE)],
                out_hbm.at[cid, pl.ds(15 * STRIPE + STRIPE,
                                      LAST_STRIPE - STRIPE)])

    return seg_sum(eidx, h)


def _bn_relu_body(part_ref, h_in_ref, gamma_ref, beta_ref, out_ref):
    x = part_ref[0] + part_ref[1] + h_in_ref[...]
    mean = jnp.mean(x, axis=0, keepdims=True)
    xc = x - mean
    var = jnp.mean(xc * xc, axis=0, keepdims=True)
    inv = lax.rsqrt(var + EPS)
    y = xc * inv * gamma_ref[...] + beta_ref[...]
    out_ref[...] = jnp.maximum(y, 0.0)


def _tc_bn_relu(partials, h_in, gamma, beta):
    return pl.pallas_call(
        _bn_relu_body,
        out_shape=jax.ShapeDtypeStruct((N, D), jnp.float32),
    )(partials, h_in, gamma.reshape(1, D), beta.reshape(1, D))


def kernel(edge_index, h, h_in, gamma, beta):
    eidx = edge_index.reshape(2 * NCHUNKS, CHUNK)
    partials = _sc_segment_sum(eidx, h)
    return _tc_bn_relu(partials, h_in, gamma, beta)

# --- scband reference (transcript-rebuilt; emitter-appended) ---
"""Pipeline reference for scband-op-module-6631429505509 (READ-ONLY COPY).

The authoritative reference and input builder live on the scoring server;
editing this copy changes nothing except your own understanding.
"""

import jax, jax.numpy as jnp
import numpy as np

N = 10000
E = 320000
D = 128
EPS = 1e-5

def setup_inputs(seed: int = 0) -> dict:
    key = jax.random.key(seed)
    k1, k2, k3 = jax.random.split(key, 3)
    h = jax.random.normal(k1, (N, D), dtype=jnp.float32)
    h_in = jax.random.normal(k2, (N, D), dtype=jnp.float32)
    edge_index = jax.random.randint(k3, (2, E), 0, N, dtype=jnp.int32)
    # BatchNorm1d learned parameters (affine)
    gamma = jnp.ones((D,), dtype=jnp.float32)
    beta = jnp.zeros((D,), dtype=jnp.float32)
    return {"edge_index": edge_index, "h": h, "h_in": h_in, "gamma": gamma, "beta": beta}

def reference(edge_index, h, h_in, gamma, beta):
    # MIXED_OPS['sum']: gather messages from source nodes, scatter-add to destination
    # nodes (sum aggregation), plus residual from h_in (typical NAS-GNN mixed op).
    src = edge_index[0]
    dst = edge_index[1]
    msgs = jnp.take(h, src, axis=0)                      # gather [E, D]
    aggr = jax.ops.segment_sum(msgs, dst, num_segments=N) # scatter-add [N, D]
    out = aggr + h_in
    # BatchNorm1d (batch statistics over node dimension, training-style)
    mean = jnp.mean(out, axis=0)
    var = jnp.var(out, axis=0)
    out = (out - mean) * jax.lax.rsqrt(var + EPS) * gamma + beta
    # ReLU activation
    out = jax.nn.relu(out)
    # NOTE: original code calls F.dropout but discards the result -> no-op.
    return out

if __name__ == "__main__":
    import jax
    _d = setup_inputs()
    print(jax.jit(kernel)(*tuple(_d.values())))

</pallas_src>

<mosaic_0001>
#map = affine_map<(d0, d1) -> (0, 0)>
#map1 = affine_map<(d0, d1) -> (0, 0, 0)>
module attributes {stable_mosaic.version = 14 : i64} {
  func.func @seg_sum(%arg0: i32, %arg1: i32, %arg2: memref<5000x128xi32, #tpu.memory_space<hbm>>, %arg3: memref<10000x128xf32, #tpu.memory_space<hbm>>, %arg4: memref<2x10000x128xf32, #tpu.memory_space<hbm>>, %arg5: memref<10000x128xf32, #tpu.memory_space<vmem_shared>>, %arg6: memref<40x128xi32, #tpu.memory_space<vmem>>, %arg7: memref<40x128xi32, #tpu.memory_space<vmem>>, %arg8: memref<128x128xf32, #tpu.memory_space<vmem>>, %arg9: memref<128x128xf32, #tpu.memory_space<vmem>>, %arg10: memref<16x128xf32, #tpu.memory_space<vmem>>, %arg11: memref<!tpu.dma_semaphore, #tpu.memory_space<semaphore_mem>>, %arg12: memref<!tpu.dma_semaphore, #tpu.memory_space<semaphore_mem>>) attributes {dimension_semantics = [#tpu.dimension_semantics<core_parallel>, #tpu.dimension_semantics<subcore_parallel>], iteration_bounds = array<i64: 2, 16>, scalar_prefetch = 0 : i64, scratch_operands = 8 : i64, tpu.core_type = #tpu.core_type<sc_vector_subcore>, window_params = [{transform_indices = #map}, {transform_indices = #map}, {transform_indices = #map1}]} {
    %mul3A = arith.constant 16 : i32
    %mul3A_0 = arith.muli %arg0, %mul3A : i32
    %add3A = arith.addi %mul3A_0, %arg1 : i32
    %mul3A_1 = arith.constant 78 : i32
    %mul3A_2 = arith.muli %add3A, %mul3A_1 : i32
    %min3A = arith.constant 4 : i32
    %min3A_3 = arith.minsi %add3A, %min3A : i32
    %add3A_4 = arith.addi %mul3A_2, %min3A_3 : i32
    %lt3A = arith.constant 4 : i32
    %lt3A_5 = arith.cmpi slt, %add3A, %lt3A : i32
    %broadcast_in_dim3A = arith.constant 0.000000e+00 : f32
    %broadcast_in_dim3A_6 = vector.broadcast %broadcast_in_dim3A : f32 to vector<16xf32>
    %scan3A = arith.constant 0 : i32
    %scan3A_7 = arith.constant 0 : i32
    %scan3A_8 = arith.constant 16 : i32
    %scan3A_9 = arith.addi %scan3A_7, %scan3A_8 : i32
    %scan3A_10 = arith.constant 1 : i32
    scf.for %scan3A_710 = %scan3A_7 to %scan3A_9 step %scan3A_10  : i32 {
      %swap3A = arith.index_cast %scan3A_710 : i32 to index
      %swap3A_711 = arith.constant 0 : index
      %swap3A_712 = tpu.vector_load %arg10[%swap3A, %swap3A_711] {strides = array<i32>} : memref<16x128xf32, #tpu.memory_space<vmem>>, vector<1x16xf32>,
      %swap3A_713 = vector.shape_cast %swap3A_712 : vector<1x16xf32> to vector<16xf32>
      %swap3A_714 = vector.shape_cast %broadcast_in_dim3A_6 : vector<16xf32> to vector<1x16xf32>
      tpu.vector_store %arg10[%swap3A, %swap3A_711], %swap3A_714 {strides = array<i32>} : memref<16x128xf32, #tpu.memory_space<vmem>>, vector<1x16xf32>,
      %swap3A_715 = arith.index_cast %scan3A_710 : i32 to index
      %swap3A_716 = arith.constant 16 : index
      %swap3A_717 = tpu.vector_load %arg10[%swap3A_715, %swap3A_716] {strides = array<i32>} : memref<16x128xf32, #tpu.memory_space<vmem>>, vector<1x16xf32>,
      %swap3A_718 = vector.shape_cast %swap3A_717 : vector<1x16xf32> to vector<16xf32>
      %swap3A_719 = vector.shape_cast %broadcast_in_dim3A_6 : vector<16xf32> to vector<1x16xf32>
      tpu.vector_store %arg10[%swap3A_715, %swap3A_716], %swap3A_719 {strides = array<i32>} : memref<16x128xf32, #tpu.memory_space<vmem>>, vector<1x16xf32>,
      %swap3A_720 = arith.index_cast %scan3A_710 : i32 to index
      %swap3A_721 = arith.constant 32 : index
      %swap3A_722 = tpu.vector_load %arg10[%swap3A_720, %swap3A_721] {strides = array<i32>} : memref<16x128xf32, #tpu.memory_space<vmem>>, vector<1x16xf32>,
      %swap3A_723 = vector.shape_cast %swap3A_722 : vector<1x16xf32> to vector<16xf32>
      %swap3A_724 = vector.shape_cast %broadcast_in_dim3A_6 : vector<16xf32> to vector<1x16xf32>
      tpu.vector_store %arg10[%swap3A_720, %swap3A_721], %swap3A_724 {strides = array<i32>} : memref<16x128xf32, #tpu.memory_space<vmem>>, vector<1x16xf32>,
      %swap3A_725 = arith.index_cast %scan3A_710 : i32 to index
      %swap3A_726 = arith.constant 48 : index
      %swap3A_727 = tpu.vector_load %arg10[%swap3A_725, %swap3A_726] {strides = array<i32>} : memref<16x128xf32, #tpu.memory_space<vmem>>, vector<1x16xf32>,
      %swap3A_728 = vector.shape_cast %swap3A_727 : vector<1x16xf32> to vector<16xf32>
      %swap3A_729 = vector.shape_cast %broadcast_in_dim3A_6 : vector<16xf32> to vector<1x16xf32>
      tpu.vector_store %arg10[%swap3A_725, %swap3A_726], %swap3A_729 {strides = array<i32>} : memref<16x128xf32, #tpu.memory_space<vmem>>, vector<1x16xf32>,
      %swap3A_730 = arith.index_cast %scan3A_710 : i32 to index
      %swap3A_731 = arith.constant 64 : index
      %swap3A_732 = tpu.vector_load %arg10[%swap3A_730, %swap3A_731] {strides = array<i32>} : memref<16x128xf32, #tpu.memory_space<vmem>>, vector<1x16xf32>,
      %swap3A_733 = vector.shape_cast %swap3A_732 : vector<1x16xf32> to vector<16xf32>
      %swap3A_734 = vector.shape_cast %broadcast_in_dim3A_6 : vector<16xf32> to vector<1x16xf32>
      tpu.vector_store %arg10[%swap3A_730, %swap3A_731], %swap3A_734 {strides = array<i32>} : memref<16x128xf32, #tpu.memory_space<vmem>>, vector<1x16xf32>,
      %swap3A_735 = arith.index_cast %scan3A_710 : i32 to index
      %swap3A_736 = arith.constant 80 : index
      %swap3A_737 = tpu.vector_load %arg10[%swap3A_735, %swap3A_736] {strides = array<i32>} : memref<16x128xf32, #tpu.memory_space<vmem>>, vector<1x16xf32>,
      %swap3A_738 = vector.shape_cast %swap3A_737 : vector<1x16xf32> to vector<16xf32>
      %swap3A_739 = vector.shape_cast %broadcast_in_dim3A_6 : vector<16xf32> to vector<1x16xf32>
      tpu.vector_store %arg10[%swap3A_735, %swap3A_736], %swap3A_739 {strides = array<i32>} : memref<16x128xf32, #tpu.memory_space<vmem>>, vector<1x16xf32>,
      %swap3A_740 = arith.index_cast %scan3A_710 : i32 to index
      %swap3A_741 = arith.constant 96 : index
      %swap3A_742 = tpu.vector_load %arg10[%swap3A_740, %swap3A_741] {strides = array<i32>} : memref<16x128xf32, #tpu.memory_space<vmem>>, vector<1x16xf32>,
      %swap3A_743 = vector.shape_cast %swap3A_742 : vector<1x16xf32> to vector<16xf32>
      %swap3A_744 = vector.shape_cast %broadcast_in_dim3A_6 : vector<16xf32> to vector<1x16xf32>
      tpu.vector_store %arg10[%swap3A_740, %swap3A_741], %swap3A_744 {strides = array<i32>} : memref<16x128xf32, #tpu.memory_space<vmem>>, vector<1x16xf32>,
      %swap3A_745 = arith.index_cast %scan3A_710 : i32 to index
      %swap3A_746 = arith.constant 112 : index
      %swap3A_747 = tpu.vector_load %arg10[%swap3A_745, %swap3A_746] {strides = array<i32>} : memref<16x128xf32, #tpu.memory_space<vmem>>, vector<1x16xf32>,
      %swap3A_748 = vector.shape_cast %swap3A_747 : vector<1x16xf32> to vector<16xf32>
      %swap3A_749 = vector.shape_cast %broadcast_in_dim3A_6 : vector<16xf32> to vector<1x16xf32>
      tpu.vector_store %arg10[%swap3A_745, %swap3A_746], %swap3A_749 {strides = array<i32>} : memref<16x128xf32, #tpu.memory_space<vmem>>, vector<1x16xf32>,
    }
    %scan3A_11 = arith.constant 16 : i32
    %mul3A_12 = arith.constant 624 : i32
    %mul3A_13 = arith.muli %arg1, %mul3A_12 : i32
    %add3A_14 = arith.constant 0 : i32
    %add3A_15 = arith.addi %mul3A_13, %add3A_14 : i32
    %dma_start3A = arith.constant 0 : i32
    %dma_start3A_16 = tpu.memref_slice %arg5[%add3A_15, %dma_start3A] : memref<10000x128xf32, #tpu.memory_space<vmem_shared>> -> memref<16x128xf32, #tpu.memory_space<vmem_shared>>
    %dma_start3A_17 = arith.constant 0 : i32
    %dma_start3A_18 = tpu.memref_slice %arg5[%add3A_15, %dma_start3A_17] : memref<10000x128xf32, #tpu.memory_space<vmem_shared>> -> memref<16x128xf32, #tpu.memory_space<vmem_shared>>
    tpu.enqueue_dma source(%arg10 : memref<16x128xf32, #tpu.memory_space<vmem>>) target(%dma_start3A_18 : memref<16x128xf32, #tpu.memory_space<vmem_shared>>) target_semaphore(%arg11 : memref<!tpu.dma_semaphore, #tpu.memory_space<semaphore_mem>>)
    %mul3A_19 = arith.constant 624 : i32
    %mul3A_20 = arith.muli %arg1, %mul3A_19 : i32
    %add3A_21 = arith.constant 16 : i32
    %add3A_22 = arith.addi %mul3A_20, %add3A_21 : i32
    %dma_start3A_23 = arith.constant 0 : i32
    %dma_start3A_24 = tpu.memref_slice %arg5[%add3A_22, %dma_start3A_23] : memref<10000x128xf32, #tpu.memory_space<vmem_shared>> -> memref<16x128xf32, #tpu.memory_space<vmem_shared>>
    %dma_start3A_25 = arith.constant 0 : i32
    %dma_start3A_26 = tpu.memref_slice %arg5[%add3A_22, %dma_start3A_25] : memref<10000x128xf32, #tpu.memory_space<vmem_shared>> -> memref<16x128xf32, #tpu.memory_space<vmem_shared>>
    tpu.enqueue_dma source(%arg10 : memref<16x128xf32, #tpu.memory_space<vmem>>) target(%dma_start3A_26 : memref<16x128xf32, #tpu.memory_space<vmem_shared>>) target_semaphore(%arg11 : memref<!tpu.dma_semaphore, #tpu.memory_space<semaphore_mem>>)
    %mul3A_27 = arith.constant 624 : i32
    %mul3A_28 = arith.muli %arg1, %mul3A_27 : i32
    %add3A_29 = arith.constant 32 : i32
    %add3A_30 = arith.addi %mul3A_28, %add3A_29 : i32
    %dma_start3A_31 = arith.constant 0 : i32
    %dma_start3A_32 = tpu.memref_slice %arg5[%add3A_30, %dma_start3A_31] : memref<10000x128xf32, #tpu.memory_space<vmem_shared>> -> memref<16x128xf32, #tpu.memory_space<vmem_shared>>
    %dma_start3A_33 = arith.constant 0 : i32
    %dma_start3A_34 = tpu.memref_slice %arg5[%add3A_30, %dma_start3A_33] : memref<10000x128xf32, #tpu.memory_space<vmem_shared>> -> memref<16x128xf32, #tpu.memory_space<vmem_shared>>
    tpu.enqueue_dma source(%arg10 : memref<16x128xf32, #tpu.memory_space<vmem>>) target(%dma_start3A_34 : memref<16x128xf32, #tpu.memory_space<vmem_shared>>) target_semaphore(%arg11 : memref<!tpu.dma_semaphore, #tpu.memory_space<semaphore_mem>>)
    %mul3A_35 = arith.constant 624 : i32
    %mul3A_36 = arith.muli %arg1, %mul3A_35 : i32
    %add3A_37 = arith.constant 48 : i32
    %add3A_38 = arith.addi %mul3A_36, %add3A_37 : i32
    %dma_start3A_39 = arith.constant 0 : i32
    %dma_start3A_40 = tpu.memref_slice %arg5[%add3A_38, %dma_start3A_39] : memref<10000x128xf32, #tpu.memory_space<vmem_shared>> -> memref<16x128xf32, #tpu.memory_space<vmem_shared>>
    %dma_start3A_41 = arith.constant 0 : i32
    %dma_start3A_42 = tpu.memref_slice %arg5[%add3A_38, %dma_start3A_41] : memref<10000x128xf32, #tpu.memory_space<vmem_shared>> -> memref<16x128xf32, #tpu.memory_space<vmem_shared>>
    tpu.enqueue_dma source(%arg10 : memref<16x128xf32, #tpu.memory_space<vmem>>) target(%dma_start3A_42 : memref<16x128xf32, #tpu.memory_space<vmem_shared>>) target_semaphore(%arg11 : memref<!tpu.dma_semaphore, #tpu.memory_space<semaphore_mem>>)
    %mul3A_43 = arith.constant 624 : i32
    %mul3A_44 = arith.muli %arg1, %mul3A_43 : i32
    %add3A_45 = arith.constant 64 : i32
    %add3A_46 = arith.addi %mul3A_44, %add3A_45 : i32
    %dma_start3A_47 = arith.constant 0 : i32
    %dma_start3A_48 = tpu.memref_slice %arg5[%add3A_46, %dma_start3A_47] : memref<10000x128xf32, #tpu.memory_space<vmem_shared>> -> memref<16x128xf32, #tpu.memory_space<vmem_shared>>
    %dma_start3A_49 = arith.constant 0 : i32
    %dma_start3A_50 = tpu.memref_slice %arg5[%add3A_46, %dma_start3A_49] : memref<10000x128xf32, #tpu.memory_space<vmem_shared>> -> memref<16x128xf32, #tpu.memory_space<vmem_shared>>
    tpu.enqueue_dma source(%arg10 : memref<16x128xf32, #tpu.memory_space<vmem>>) target(%dma_start3A_50 : memref<16x128xf32, #tpu.memory_space<vmem_shared>>) target_semaphore(%arg11 : memref<!tpu.dma_semaphore, #tpu.memory_space<semaphore_mem>>)
    %mul3A_51 = arith.constant 624 : i32
    %mul3A_52 = arith.muli %arg1, %mul3A_51 : i32
    %add3A_53 = arith.constant 80 : i32
    %add3A_54 = arith.addi %mul3A_52, %add3A_53 : i32
    %dma_start3A_55 = arith.constant 0 : i32
    %dma_start3A_56 = tpu.memref_slice %arg5[%add3A_54, %dma_start3A_55] : memref<10000x128xf32, #tpu.memory_space<vmem_shared>> -> memref<16x128xf32, #tpu.memory_space<vmem_shared>>
    %dma_start3A_57 = arith.constant 0 : i32
    %dma_start3A_58 = tpu.memref_slice %arg5[%add3A_54, %dma_start3A_57] : memref<10000x128xf32, #tpu.memory_space<vmem_shared>> -> memref<16x128xf32, #tpu.memory_space<vmem_shared>>
    tpu.enqueue_dma source(%arg10 : memref<16x128xf32, #tpu.memory_space<vmem>>) target(%dma_start3A_58 : memref<16x128xf32, #tpu.memory_space<vmem_shared>>) target_semaphore(%arg11 : memref<!tpu.dma_semaphore, #tpu.memory_space<semaphore_mem>>)
    %mul3A_59 = arith.constant 624 : i32
    %mul3A_60 = arith.muli %arg1, %mul3A_59 : i32
    %add3A_61 = arith.constant 96 : i32
    %add3A_62 = arith.addi %mul3A_60, %add3A_61 : i32
    %dma_start3A_63 = arith.constant 0 : i32
    %dma_start3A_64 = tpu.memref_slice %arg5[%add3A_62, %dma_start3A_63] : memref<10000x128xf32, #tpu.memory_space<vmem_shared>> -> memref<16x128xf32, #tpu.memory_space<vmem_shared>>
    %dma_start3A_65 = arith.constant 0 : i32
    %dma_start3A_66 = tpu.memref_slice %arg5[%add3A_62, %dma_start3A_65] : memref<10000x128xf32, #tpu.memory_space<vmem_shared>> -> memref<16x128xf32, #tpu.memory_space<vmem_shared>>
    tpu.enqueue_dma source(%arg10 : memref<16x128xf32, #tpu.memory_space<vmem>>) target(%dma_start3A_66 : memref<16x128xf32, #tpu.memory_space<vmem_shared>>) target_semaphore(%arg11 : memref<!tpu.dma_semaphore, #tpu.memory_space<semaphore_mem>>)
    %mul3A_67 = arith.constant 624 : i32
    %mul3A_68 = arith.muli %arg1, %mul3A_67 : i32
    %add3A_69 = arith.constant 112 : i32
    %add3A_70 = arith.addi %mul3A_68, %add3A_69 : i32
    %dma_start3A_71 = arith.constant 0 : i32
    %dma_start3A_72 = tpu.memref_slice %arg5[%add3A_70, %dma_start3A_71] : memref<10000x128xf32, #tpu.memory_space<vmem_shared>> -> memref<16x128xf32, #tpu.memory_space<vmem_shared>>
    %dma_start3A_73 = arith.constant 0 : i32
    %dma_start3A_74 = tpu.memref_slice %arg5[%add3A_70, %dma_start3A_73] : memref<10000x128xf32, #tpu.memory_space<vmem_shared>> -> memref<16x128xf32, #tpu.memory_space<vmem_shared>>
    tpu.enqueue_dma source(%arg10 : memref<16x128xf32, #tpu.memory_space<vmem>>) target(%dma_start3A_74 : memref<16x128xf32, #tpu.memory_space<vmem_shared>>) target_semaphore(%arg11 : memref<!tpu.dma_semaphore, #tpu.memory_space<semaphore_mem>>)
    %mul3A_75 = arith.constant 624 : i32
    %mul3A_76 = arith.muli %arg1, %mul3A_75 : i32
    %add3A_77 = arith.constant 128 : i32
    %add3A_78 = arith.addi %mul3A_76, %add3A_77 : i32
    %dma_start3A_79 = arith.constant 0 : i32
    %dma_start3A_80 = tpu.memref_slice %arg5[%add3A_78, %dma_start3A_79] : memref<10000x128xf32, #tpu.memory_space<vmem_shared>> -> memref<16x128xf32, #tpu.memory_space<vmem_shared>>
    %dma_start3A_81 = arith.constant 0 : i32
    %dma_start3A_82 = tpu.memref_slice %arg5[%add3A_78, %dma_start3A_81] : memref<10000x128xf32, #tpu.memory_space<vmem_shared>> -> memref<16x128xf32, #tpu.memory_space<vmem_shared>>
    tpu.enqueue_dma source(%arg10 : memref<16x128xf32, #tpu.memory_space<vmem>>) target(%dma_start3A_82 : memref<16x128xf32, #tpu.memory_space<vmem_shared>>) target_semaphore(%arg11 : memref<!tpu.dma_semaphore, #tpu.memory_space<semaphore_mem>>)
    %mul3A_83 = arith.constant 624 : i32
    %mul3A_84 = arith.muli %arg1, %mul3A_83 : i32
    %add3A_85 = arith.constant 144 : i32
    %add3A_86 = arith.addi %mul3A_84, %add3A_85 : i32
    %dma_start3A_87 = arith.constant 0 : i32
    %dma_start3A_88 = tpu.memref_slice %arg5[%add3A_86, %dma_start3A_87] : memref<10000x128xf32, #tpu.memory_space<vmem_shared>> -> memref<16x128xf32, #tpu.memory_space<vmem_shared>>
    %dma_start3A_89 = arith.constant 0 : i32
    %dma_start3A_90 = tpu.memref_slice %arg5[%add3A_86, %dma_start3A_89] : memref<10000x128xf32, #tpu.memory_space<vmem_shared>> -> memref<16x128xf32, #tpu.memory_space<vmem_shared>>
    tpu.enqueue_dma source(%arg10 : memref<16x128xf32, #tpu.memory_space<vmem>>) target(%dma_start3A_90 : memref<16x128xf32, #tpu.memory_space<vmem_shared>>) target_semaphore(%arg11 : memref<!tpu.dma_semaphore, #tpu.memory_space<semaphore_mem>>)
    %mul3A_91 = arith.constant 624 : i32
    %mul3A_92 = arith.muli %arg1, %mul3A_91 : i32
    %add3A_93 = arith.constant 160 : i32
    %add3A_94 = arith.addi %mul3A_92, %add3A_93 : i32
    %dma_start3A_95 = arith.constant 0 : i32
    %dma_start3A_96 = tpu.memref_slice %arg5[%add3A_94, %dma_start3A_95] : memref<10000x128xf32, #tpu.memory_space<vmem_shared>> -> memref<16x128xf32, #tpu.memory_space<vmem_shared>>
    %dma_start3A_97 = arith.constant 0 : i32
    %dma_start3A_98 = tpu.memref_slice %arg5[%add3A_94, %dma_start3A_97] : memref<10000x128xf32, #tpu.memory_space<vmem_shared>> -> memref<16x128xf32, #tpu.memory_space<vmem_shared>>
    tpu.enqueue_dma source(%arg10 : memref<16x128xf32, #tpu.memory_space<vmem>>) target(%dma_start3A_98 : memref<16x128xf32, #tpu.memory_space<vmem_shared>>) target_semaphore(%arg11 : memref<!tpu.dma_semaphore, #tpu.memory_space<semaphore_mem>>)
    %mul3A_99 = arith.constant 624 : i32
    %mul3A_100 = arith.muli %arg1, %mul3A_99 : i32
    %add3A_101 = arith.constant 176 : i32
    %add3A_102 = arith.addi %mul3A_100, %add3A_101 : i32
    %dma_start3A_103 = arith.constant 0 : i32
    %dma_start3A_104 = tpu.memref_slice %arg5[%add3A_102, %dma_start3A_103] : memref<10000x128xf32, #tpu.memory_space<vmem_shared>> -> memref<16x128xf32, #tpu.memory_space<vmem_shared>>
    %dma_start3A_105 = arith.constant 0 : i32
    %dma_start3A_106 = tpu.memref_slice %arg5[%add3A_102, %dma_start3A_105] : memref<10000x128xf32, #tpu.memory_space<vmem_shared>> -> memref<16x128xf32, #tpu.memory_space<vmem_shared>>
    tpu.enqueue_dma source(%arg10 : memref<16x128xf32, #tpu.memory_space<vmem>>) target(%dma_start3A_106 : memref<16x128xf32, #tpu.memory_space<vmem_shared>>) target_semaphore(%arg11 : memref<!tpu.dma_semaphore, #tpu.memory_space<semaphore_mem>>)
    %mul3A_107 = arith.constant 624 : i32
    %mul3A_108 = arith.muli %arg1, %mul3A_107 : i32
    %add3A_109 = arith.constant 192 : i32
    %add3A_110 = arith.addi %mul3A_108, %add3A_109 : i32
    %dma_start3A_111 = arith.constant 0 : i32
    %dma_start3A_112 = tpu.memref_slice %arg5[%add3A_110, %dma_start3A_111] : memref<10000x128xf32, #tpu.memory_space<vmem_shared>> -> memref<16x128xf32, #tpu.memory_space<vmem_shared>>
    %dma_start3A_113 = arith.constant 0 : i32
    %dma_start3A_114 = tpu.memref_slice %arg5[%add3A_110, %dma_start3A_113] : memref<10000x128xf32, #tpu.memory_space<vmem_shared>> -> memref<16x128xf32, #tpu.memory_space<vmem_shared>>
    tpu.enqueue_dma source(%arg10 : memref<16x128xf32, #tpu.memory_space<vmem>>) target(%dma_start3A_114 : memref<16x128xf32, #tpu.memory_space<vmem_shared>>) target_semaphore(%arg11 : memref<!tpu.dma_semaphore, #tpu.memory_space<semaphore_mem>>)
    %mul3A_115 = arith.constant 624 : i32
    %mul3A_116 = arith.muli %arg1, %mul3A_115 : i32
    %add3A_117 = arith.constant 208 : i32
    %add3A_118 = arith.addi %mul3A_116, %add3A_117 : i32
    %dma_start3A_119 = arith.constant 0 : i32
    %dma_start3A_120 = tpu.memref_slice %arg5[%add3A_118, %dma_start3A_119] : memref<10000x128xf32, #tpu.memory_space<vmem_shared>> -> memref<16x128xf32, #tpu.memory_space<vmem_shared>>
    %dma_start3A_121 = arith.constant 0 : i32
    %dma_start3A_122 = tpu.memref_slice %arg5[%add3A_118, %dma_start3A_121] : memref<10000x128xf32, #tpu.memory_space<vmem_shared>> -> memref<16x128xf32, #tpu.memory_space<vmem_shared>>
    tpu.enqueue_dma source(%arg10 : memref<16x128xf32, #tpu.memory_space<vmem>>) target(%dma_start3A_122 : memref<16x128xf32, #tpu.memory_space<vmem_shared>>) target_semaphore(%arg11 : memref<!tpu.dma_semaphore, #tpu.memory_space<semaphore_mem>>)
    %mul3A_123 = arith.constant 624 : i32
    %mul3A_124 = arith.muli %arg1, %mul3A_123 : i32
    %add3A_125 = arith.constant 224 : i32
    %add3A_126 = arith.addi %mul3A_124, %add3A_125 : i32
    %dma_start3A_127 = arith.constant 0 : i32
    %dma_start3A_128 = tpu.memref_slice %arg5[%add3A_126, %dma_start3A_127] : memref<10000x128xf32, #tpu.memory_space<vmem_shared>> -> memref<16x128xf32, #tpu.memory_space<vmem_shared>>
    %dma_start3A_129 = arith.constant 0 : i32
    %dma_start3A_130 = tpu.memref_slice %arg5[%add3A_126, %dma_start3A_129] : memref<10000x128xf32, #tpu.memory_space<vmem_shared>> -> memref<16x128xf32, #tpu.memory_space<vmem_shared>>
    tpu.enqueue_dma source(%arg10 : memref<16x128xf32, #tpu.memory_space<vmem>>) target(%dma_start3A_130 : memref<16x128xf32, #tpu.memory_space<vmem_shared>>) target_semaphore(%arg11 : memref<!tpu.dma_semaphore, #tpu.memory_space<semaphore_mem>>)
    %mul3A_131 = arith.constant 624 : i32
    %mul3A_132 = arith.muli %arg1, %mul3A_131 : i32
    %add3A_133 = arith.constant 240 : i32
    %add3A_134 = arith.addi %mul3A_132, %add3A_133 : i32
    %dma_start3A_135 = arith.constant 0 : i32
    %dma_start3A_136 = tpu.memref_slice %arg5[%add3A_134, %dma_start3A_135] : memref<10000x128xf32, #tpu.memory_space<vmem_shared>> -> memref<16x128xf32, #tpu.memory_space<vmem_shared>>
    %dma_start3A_137 = arith.constant 0 : i32
    %dma_start3A_138 = tpu.memref_slice %arg5[%add3A_134, %dma_start3A_137] : memref<10000x128xf32, #tpu.memory_space<vmem_shared>> -> memref<16x128xf32, #tpu.memory_space<vmem_shared>>
    tpu.enqueue_dma source(%arg10 : memref<16x128xf32, #tpu.memory_space<vmem>>) target(%dma_start3A_138 : memref<16x128xf32, #tpu.memory_space<vmem_shared>>) target_semaphore(%arg11 : memref<!tpu.dma_semaphore, #tpu.memory_space<semaphore_mem>>)
    %mul3A_139 = arith.constant 624 : i32
    %mul3A_140 = arith.muli %arg1, %mul3A_139 : i32
    %add3A_141 = arith.constant 256 : i32
    %add3A_142 = arith.addi %mul3A_140, %add3A_141 : i32
    %dma_start3A_143 = arith.constant 0 : i32
    %dma_start3A_144 = tpu.memref_slice %arg5[%add3A_142, %dma_start3A_143] : memref<10000x128xf32, #tpu.memory_space<vmem_shared>> -> memref<16x128xf32, #tpu.memory_space<vmem_shared>>
    %dma_start3A_145 = arith.constant 0 : i32
    %dma_start3A_146 = tpu.memref_slice %arg5[%add3A_142, %dma_start3A_145] : memref<10000x128xf32, #tpu.memory_space<vmem_shared>> -> memref<16x128xf32, #tpu.memory_space<vmem_shared>>
    tpu.enqueue_dma source(%arg10 : memref<16x128xf32, #tpu.memory_space<vmem>>) target(%dma_start3A_146 : memref<16x128xf32, #tpu.memory_space<vmem_shared>>) target_semaphore(%arg11 : memref<!tpu.dma_semaphore, #tpu.memory_space<semaphore_mem>>)
    %mul3A_147 = arith.constant 624 : i32
    %mul3A_148 = arith.muli %arg1, %mul3A_147 : i32
    %add3A_149 = arith.constant 272 : i32
    %add3A_150 = arith.addi %mul3A_148, %add3A_149 : i32
    %dma_start3A_151 = arith.constant 0 : i32
    %dma_start3A_152 = tpu.memref_slice %arg5[%add3A_150, %dma_start3A_151] : memref<10000x128xf32, #tpu.memory_space<vmem_shared>> -> memref<16x128xf32, #tpu.memory_space<vmem_shared>>
    %dma_start3A_153 = arith.constant 0 : i32
    %dma_start3A_154 = tpu.memref_slice %arg5[%add3A_150, %dma_start3A_153] : memref<10000x128xf32, #tpu.memory_space<vmem_shared>> -> memref<16x128xf32, #tpu.memory_space<vmem_shared>>
    tpu.enqueue_dma source(%arg10 : memref<16x128xf32, #tpu.memory_space<vmem>>) target(%dma_start3A_154 : memref<16x128xf32, #tpu.memory_space<vmem_shared>>) target_semaphore(%arg11 : memref<!tpu.dma_semaphore, #tpu.memory_space<semaphore_mem>>)
    %mul3A_155 = arith.constant 624 : i32
    %mul3A_156 = arith.muli %arg1, %mul3A_155 : i32
    %add3A_157 = arith.constant 288 : i32
    %add3A_158 = arith.addi %mul3A_156, %add3A_157 : i32
    %dma_start3A_159 = arith.constant 0 : i32
    %dma_start3A_160 = tpu.memref_slice %arg5[%add3A_158, %dma_start3A_159] : memref<10000x128xf32, #tpu.memory_space<vmem_shared>> -> memref<16x128xf32, #tpu.memory_space<vmem_shared>>
    %dma_start3A_161 = arith.constant 0 : i32
    %dma_start3A_162 = tpu.memref_slice %arg5[%add3A_158, %dma_start3A_161] : memref<10000x128xf32, #tpu.memory_space<vmem_shared>> -> memref<16x128xf32, #tpu.memory_space<vmem_shared>>
    tpu.enqueue_dma source(%arg10 : memref<16x128xf32, #tpu.memory_space<vmem>>) target(%dma_start3A_162 : memref<16x128xf32, #tpu.memory_space<vmem_shared>>) target_semaphore(%arg11 : memref<!tpu.dma_semaphore, #tpu.memory_space<semaphore_mem>>)
    %mul3A_163 = arith.constant 624 : i32
    %mul3A_164 = arith.muli %arg1, %mul3A_163 : i32
    %add3A_165 = arith.constant 304 : i32
    %add3A_166 = arith.addi %mul3A_164, %add3A_165 : i32
    %dma_start3A_167 = arith.constant 0 : i32
    %dma_start3A_168 = tpu.memref_slice %arg5[%add3A_166, %dma_start3A_167] : memref<10000x128xf32, #tpu.memory_space<vmem_shared>> -> memref<16x128xf32, #tpu.memory_space<vmem_shared>>
    %dma_start3A_169 = arith.constant 0 : i32
    %dma_start3A_170 = tpu.memref_slice %arg5[%add3A_166, %dma_start3A_169] : memref<10000x128xf32, #tpu.memory_space<vmem_shared>> -> memref<16x128xf32, #tpu.memory_space<vmem_shared>>
    tpu.enqueue_dma source(%arg10 : memref<16x128xf32, #tpu.memory_space<vmem>>) target(%dma_start3A_170 : memref<16x128xf32, #tpu.memory_space<vmem_shared>>) target_semaphore(%arg11 : memref<!tpu.dma_semaphore, #tpu.memory_space<semaphore_mem>>)
    %mul3A_171 = arith.constant 624 : i32
    %mul3A_172 = arith.muli %arg1, %mul3A_171 : i32
    %add3A_173 = arith.constant 320 : i32
    %add3A_174 = arith.addi %mul3A_172, %add3A_173 : i32
    %dma_start3A_175 = arith.constant 0 : i32
    %dma_start3A_176 = tpu.memref_slice %arg5[%add3A_174, %dma_start3A_175] : memref<10000x128xf32, #tpu.memory_space<vmem_shared>> -> memref<16x128xf32, #tpu.memory_space<vmem_shared>>
    %dma_start3A_177 = arith.constant 0 : i32
    %dma_start3A_178 = tpu.memref_slice %arg5[%add3A_174, %dma_start3A_177] : memref<10000x128xf32, #tpu.memory_space<vmem_shared>> -> memref<16x128xf32, #tpu.memory_space<vmem_shared>>
    tpu.enqueue_dma source(%arg10 : memref<16x128xf32, #tpu.memory_space<vmem>>) target(%dma_start3A_178 : memref<16x128xf32, #tpu.memory_space<vmem_shared>>) target_semaphore(%arg11 : memref<!tpu.dma_semaphore, #tpu.memory_space<semaphore_mem>>)
    %mul3A_179 = arith.constant 624 : i32
    %mul3A_180 = arith.muli %arg1, %mul3A_179 : i32
    %add3A_181 = arith.constant 336 : i32
    %add3A_182 = arith.addi %mul3A_180, %add3A_181 : i32
    %dma_start3A_183 = arith.constant 0 : i32
    %dma_start3A_184 = tpu.memref_slice %arg5[%add3A_182, %dma_start3A_183] : memref<10000x128xf32, #tpu.memory_space<vmem_shared>> -> memref<16x128xf32, #tpu.memory_space<vmem_shared>>
    %dma_start3A_185 = arith.constant 0 : i32
    %dma_start3A_186 = tpu.memref_slice %arg5[%add3A_182, %dma_start3A_185] : memref<10000x128xf32, #tpu.memory_space<vmem_shared>> -> memref<16x128xf32, #tpu.memory_space<vmem_shared>>
    tpu.enqueue_dma source(%arg10 : memref<16x128xf32, #tpu.memory_space<vmem>>) target(%dma_start3A_186 : memref<16x128xf32, #tpu.memory_space<vmem_shared>>) target_semaphore(%arg11 : memref<!tpu.dma_semaphore, #tpu.memory_space<semaphore_mem>>)
    %mul3A_187 = arith.constant 624 : i32
    %mul3A_188 = arith.muli %arg1, %mul3A_187 : i32
    %add3A_189 = arith.constant 352 : i32
    %add3A_190 = arith.addi %mul3A_188, %add3A_189 : i32
    %dma_start3A_191 = arith.constant 0 : i32
    %dma_start3A_192 = tpu.memref_slice %arg5[%add3A_190, %dma_start3A_191] : memref<10000x128xf32, #tpu.memory_space<vmem_shared>> -> memref<16x128xf32, #tpu.memory_space<vmem_shared>>
    %dma_start3A_193 = arith.constant 0 : i32
    %dma_start3A_194 = tpu.memref_slice %arg5[%add3A_190, %dma_start3A_193] : memref<10000x128xf32, #tpu.memory_space<vmem_shared>> -> memref<16x128xf32, #tpu.memory_space<vmem_shared>>
    tpu.enqueue_dma source(%arg10 : memref<16x128xf32, #tpu.memory_space<vmem>>) target(%dma_start3A_194 : memref<16x128xf32, #tpu.memory_space<vmem_shared>>) target_semaphore(%arg11 : memref<!tpu.dma_semaphore, #tpu.memory_space<semaphore_mem>>)
    %mul3A_195 = arith.constant 624 : i32
    %mul3A_196 = arith.muli %arg1, %mul3A_195 : i32
    %add3A_197 = arith.constant 368 : i32
    %add3A_198 = arith.addi %mul3A_196, %add3A_197 : i32
    %dma_start3A_199 = arith.constant 0 : i32
    %dma_start3A_200 = tpu.memref_slice %arg5[%add3A_198, %dma_start3A_199] : memref<10000x128xf32, #tpu.memory_space<vmem_shared>> -> memref<16x128xf32, #tpu.memory_space<vmem_shared>>
    %dma_start3A_201 = arith.constant 0 : i32
    %dma_start3A_202 = tpu.memref_slice %arg5[%add3A_198, %dma_start3A_201] : memref<10000x128xf32, #tpu.memory_space<vmem_shared>> -> memref<16x128xf32, #tpu.memory_space<vmem_shared>>
    tpu.enqueue_dma source(%arg10 : memref<16x128xf32, #tpu.memory_space<vmem>>) target(%dma_start3A_202 : memref<16x128xf32, #tpu.memory_space<vmem_shared>>) target_semaphore(%arg11 : memref<!tpu.dma_semaphore, #tpu.memory_space<semaphore_mem>>)
    %mul3A_203 = arith.constant 624 : i32
    %mul3A_204 = arith.muli %arg1, %mul3A_203 : i32
    %add3A_205 = arith.constant 384 : i32
    %add3A_206 = arith.addi %mul3A_204, %add3A_205 : i32
    %dma_start3A_207 = arith.constant 0 : i32
    %dma_start3A_208 = tpu.memref_slice %arg5[%add3A_206, %dma_start3A_207] : memref<10000x128xf32, #tpu.memory_space<vmem_shared>> -> memref<16x128xf32, #tpu.memory_space<vmem_shared>>
    %dma_start3A_209 = arith.constant 0 : i32
    %dma_start3A_210 = tpu.memref_slice %arg5[%add3A_206, %dma_start3A_209] : memref<10000x128xf32, #tpu.memory_space<vmem_shared>> -> memref<16x128xf32, #tpu.memory_space<vmem_shared>>
    tpu.enqueue_dma source(%arg10 : memref<16x128xf32, #tpu.memory_space<vmem>>) target(%dma_start3A_210 : memref<16x128xf32, #tpu.memory_space<vmem_shared>>) target_semaphore(%arg11 : memref<!tpu.dma_semaphore, #tpu.memory_space<semaphore_mem>>)
    %mul3A_211 = arith.constant 624 : i32
    %mul3A_212 = arith.muli %arg1, %mul3A_211 : i32
    %add3A_213 = arith.constant 400 : i32
    %add3A_214 = arith.addi %mul3A_212, %add3A_213 : i32
    %dma_start3A_215 = arith.constant 0 : i32
    %dma_start3A_216 = tpu.memref_slice %arg5[%add3A_214, %dma_start3A_215] : memref<10000x128xf32, #tpu.memory_space<vmem_shared>> -> memref<16x128xf32, #tpu.memory_space<vmem_shared>>
    %dma_start3A_217 = arith.constant 0 : i32
    %dma_start3A_218 = tpu.memref_slice %arg5[%add3A_214, %dma_start3A_217] : memref<10000x128xf32, #tpu.memory_space<vmem_shared>> -> memref<16x128xf32, #tpu.memory_space<vmem_shared>>
    tpu.enqueue_dma source(%arg10 : memref<16x128xf32, #tpu.memory_space<vmem>>) target(%dma_start3A_218 : memref<16x128xf32, #tpu.memory_space<vmem_shared>>) target_semaphore(%arg11 : memref<!tpu.dma_semaphore, #tpu.memory_space<semaphore_mem>>)
    %mul3A_219 = arith.constant 624 : i32
    %mul3A_220 = arith.muli %arg1, %mul3A_219 : i32
    %add3A_221 = arith.constant 416 : i32
    %add3A_222 = arith.addi %mul3A_220, %add3A_221 : i32
    %dma_start3A_223 = arith.constant 0 : i32
    %dma_start3A_224 = tpu.memref_slice %arg5[%add3A_222, %dma_start3A_223] : memref<10000x128xf32, #tpu.memory_space<vmem_shared>> -> memref<16x128xf32, #tpu.memory_space<vmem_shared>>
    %dma_start3A_225 = arith.constant 0 : i32
    %dma_start3A_226 = tpu.memref_slice %arg5[%add3A_222, %dma_start3A_225] : memref<10000x128xf32, #tpu.memory_space<vmem_shared>> -> memref<16x128xf32, #tpu.memory_space<vmem_shared>>
    tpu.enqueue_dma source(%arg10 : memref<16x128xf32, #tpu.memory_space<vmem>>) target(%dma_start3A_226 : memref<16x128xf32, #tpu.memory_space<vmem_shared>>) target_semaphore(%arg11 : memref<!tpu.dma_semaphore, #tpu.memory_space<semaphore_mem>>)
    %mul3A_227 = arith.constant 624 : i32
    %mul3A_228 = arith.muli %arg1, %mul3A_227 : i32
    %add3A_229 = arith.constant 432 : i32
    %add3A_230 = arith.addi %mul3A_228, %add3A_229 : i32
    %dma_start3A_231 = arith.constant 0 : i32
    %dma_start3A_232 = tpu.memref_slice %arg5[%add3A_230, %dma_start3A_231] : memref<10000x128xf32, #tpu.memory_space<vmem_shared>> -> memref<16x128xf32, #tpu.memory_space<vmem_shared>>
    %dma_start3A_233 = arith.constant 0 : i32
    %dma_start3A_234 = tpu.memref_slice %arg5[%add3A_230, %dma_start3A_233] : memref<10000x128xf32, #tpu.memory_space<vmem_shared>> -> memref<16x128xf32, #tpu.memory_space<vmem_shared>>
    tpu.enqueue_dma source(%arg10 : memref<16x128xf32, #tpu.memory_space<vmem>>) target(%dma_start3A_234 : memref<16x128xf32, #tpu.memory_space<vmem_shared>>) target_semaphore(%arg11 : memref<!tpu.dma_semaphore, #tpu.memory_space<semaphore_mem>>)
    %mul3A_235 = arith.constant 624 : i32
    %mul3A_236 = arith.muli %arg1, %mul3A_235 : i32
    %add3A_237 = arith.constant 448 : i32
    %add3A_238 = arith.addi %mul3A_236, %add3A_237 : i32
    %dma_start3A_239 = arith.constant 0 : i32
    %dma_start3A_240 = tpu.memref_slice %arg5[%add3A_238, %dma_start3A_239] : memref<10000x128xf32, #tpu.memory_space<vmem_shared>> -> memref<16x128xf32, #tpu.memory_space<vmem_shared>>
    %dma_start3A_241 = arith.constant 0 : i32
    %dma_start3A_242 = tpu.memref_slice %arg5[%add3A_238, %dma_start3A_241] : memref<10000x128xf32, #tpu.memory_space<vmem_shared>> -> memref<16x128xf32, #tpu.memory_space<vmem_shared>>
    tpu.enqueue_dma source(%arg10 : memref<16x128xf32, #tpu.memory_space<vmem>>) target(%dma_start3A_242 : memref<16x128xf32, #tpu.memory_space<vmem_shared>>) target_semaphore(%arg11 : memref<!tpu.dma_semaphore, #tpu.memory_space<semaphore_mem>>)
    %mul3A_243 = arith.constant 624 : i32
    %mul3A_244 = arith.muli %arg1, %mul3A_243 : i32
    %add3A_245 = arith.constant 464 : i32
    %add3A_246 = arith.addi %mul3A_244, %add3A_245 : i32
    %dma_start3A_247 = arith.constant 0 : i32
    %dma_start3A_248 = tpu.memref_slice %arg5[%add3A_246, %dma_start3A_247] : memref<10000x128xf32, #tpu.memory_space<vmem_shared>> -> memref<16x128xf32, #tpu.memory_space<vmem_shared>>
    %dma_start3A_249 = arith.constant 0 : i32
    %dma_start3A_250 = tpu.memref_slice %arg5[%add3A_246, %dma_start3A_249] : memref<10000x128xf32, #tpu.memory_space<vmem_shared>> -> memref<16x128xf32, #tpu.memory_space<vmem_shared>>
    tpu.enqueue_dma source(%arg10 : memref<16x128xf32, #tpu.memory_space<vmem>>) target(%dma_start3A_250 : memref<16x128xf32, #tpu.memory_space<vmem_shared>>) target_semaphore(%arg11 : memref<!tpu.dma_semaphore, #tpu.memory_space<semaphore_mem>>)
    %mul3A_251 = arith.constant 624 : i32
    %mul3A_252 = arith.muli %arg1, %mul3A_251 : i32
    %add3A_253 = arith.constant 480 : i32
    %add3A_254 = arith.addi %mul3A_252, %add3A_253 : i32
    %dma_start3A_255 = arith.constant 0 : i32
    %dma_start3A_256 = tpu.memref_slice %arg5[%add3A_254, %dma_start3A_255] : memref<10000x128xf32, #tpu.memory_space<vmem_shared>> -> memref<16x128xf32, #tpu.memory_space<vmem_shared>>
    %dma_start3A_257 = arith.constant 0 : i32
    %dma_start3A_258 = tpu.memref_slice %arg5[%add3A_254, %dma_start3A_257] : memref<10000x128xf32, #tpu.memory_space<vmem_shared>> -> memref<16x128xf32, #tpu.memory_space<vmem_shared>>
    tpu.enqueue_dma source(%arg10 : memref<16x128xf32, #tpu.memory_space<vmem>>) target(%dma_start3A_258 : memref<16x128xf32, #tpu.memory_space<vmem_shared>>) target_semaphore(%arg11 : memref<!tpu.dma_semaphore, #tpu.memory_space<semaphore_mem>>)
    %mul3A_259 = arith.constant 624 : i32
    %mul3A_260 = arith.muli %arg1, %mul3A_259 : i32
    %add3A_261 = arith.constant 496 : i32
    %add3A_262 = arith.addi %mul3A_260, %add3A_261 : i32
    %dma_start3A_263 = arith.constant 0 : i32
    %dma_start3A_264 = tpu.memref_slice %arg5[%add3A_262, %dma_start3A_263] : memref<10000x128xf32, #tpu.memory_space<vmem_shared>> -> memref<16x128xf32, #tpu.memory_space<vmem_shared>>
    %dma_start3A_265 = arith.constant 0 : i32
    %dma_start3A_266 = tpu.memref_slice %arg5[%add3A_262, %dma_start3A_265] : memref<10000x128xf32, #tpu.memory_space<vmem_shared>> -> memref<16x128xf32, #tpu.memory_space<vmem_shared>>
    tpu.enqueue_dma source(%arg10 : memref<16x128xf32, #tpu.memory_space<vmem>>) target(%dma_start3A_266 : memref<16x128xf32, #tpu.memory_space<vmem_shared>>) target_semaphore(%arg11 : memref<!tpu.dma_semaphore, #tpu.memory_space<semaphore_mem>>)
    %mul3A_267 = arith.constant 624 : i32
    %mul3A_268 = arith.muli %arg1, %mul3A_267 : i32
    %add3A_269 = arith.constant 512 : i32
    %add3A_270 = arith.addi %mul3A_268, %add3A_269 : i32
    %dma_start3A_271 = arith.constant 0 : i32
    %dma_start3A_272 = tpu.memref_slice %arg5[%add3A_270, %dma_start3A_271] : memref<10000x128xf32, #tpu.memory_space<vmem_shared>> -> memref<16x128xf32, #tpu.memory_space<vmem_shared>>
    %dma_start3A_273 = arith.constant 0 : i32
    %dma_start3A_274 = tpu.memref_slice %arg5[%add3A_270, %dma_start3A_273] : memref<10000x128xf32, #tpu.memory_space<vmem_shared>> -> memref<16x128xf32, #tpu.memory_space<vmem_shared>>
    tpu.enqueue_dma source(%arg10 : memref<16x128xf32, #tpu.memory_space<vmem>>) target(%dma_start3A_274 : memref<16x128xf32, #tpu.memory_space<vmem_shared>>) target_semaphore(%arg11 : memref<!tpu.dma_semaphore, #tpu.memory_space<semaphore_mem>>)
    %mul3A_275 = arith.constant 624 : i32
    %mul3A_276 = arith.muli %arg1, %mul3A_275 : i32
    %add3A_277 = arith.constant 528 : i32
    %add3A_278 = arith.addi %mul3A_276, %add3A_277 : i32
    %dma_start3A_279 = arith.constant 0 : i32
    %dma_start3A_280 = tpu.memref_slice %arg5[%add3A_278, %dma_start3A_279] : memref<10000x128xf32, #tpu.memory_space<vmem_shared>> -> memref<16x128xf32, #tpu.memory_space<vmem_shared>>
    %dma_start3A_281 = arith.constant 0 : i32
    %dma_start3A_282 = tpu.memref_slice %arg5[%add3A_278, %dma_start3A_281] : memref<10000x128xf32, #tpu.memory_space<vmem_shared>> -> memref<16x128xf32, #tpu.memory_space<vmem_shared>>
    tpu.enqueue_dma source(%arg10 : memref<16x128xf32, #tpu.memory_space<vmem>>) target(%dma_start3A_282 : memref<16x128xf32, #tpu.memory_space<vmem_shared>>) target_semaphore(%arg11 : memref<!tpu.dma_semaphore, #tpu.memory_space<semaphore_mem>>)
    %mul3A_283 = arith.constant 624 : i32
    %mul3A_284 = arith.muli %arg1, %mul3A_283 : i32
    %add3A_285 = arith.constant 544 : i32
    %add3A_286 = arith.addi %mul3A_284, %add3A_285 : i32
    %dma_start3A_287 = arith.constant 0 : i32
    %dma_start3A_288 = tpu.memref_slice %arg5[%add3A_286, %dma_start3A_287] : memref<10000x128xf32, #tpu.memory_space<vmem_shared>> -> memref<16x128xf32, #tpu.memory_space<vmem_shared>>
    %dma_start3A_289 = arith.constant 0 : i32
    %dma_start3A_290 = tpu.memref_slice %arg5[%add3A_286, %dma_start3A_289] : memref<10000x128xf32, #tpu.memory_space<vmem_shared>> -> memref<16x128xf32, #tpu.memory_space<vmem_shared>>
    tpu.enqueue_dma source(%arg10 : memref<16x128xf32, #tpu.memory_space<vmem>>) target(%dma_start3A_290 : memref<16x128xf32, #tpu.memory_space<vmem_shared>>) target_semaphore(%arg11 : memref<!tpu.dma_semaphore, #tpu.memory_space<semaphore_mem>>)
    %mul3A_291 = arith.constant 624 : i32
    %mul3A_292 = arith.muli %arg1, %mul3A_291 : i32
    %add3A_293 = arith.constant 560 : i32
    %add3A_294 = arith.addi %mul3A_292, %add3A_293 : i32
    %dma_start3A_295 = arith.constant 0 : i32
    %dma_start3A_296 = tpu.memref_slice %arg5[%add3A_294, %dma_start3A_295] : memref<10000x128xf32, #tpu.memory_space<vmem_shared>> -> memref<16x128xf32, #tpu.memory_space<vmem_shared>>
    %dma_start3A_297 = arith.constant 0 : i32
    %dma_start3A_298 = tpu.memref_slice %arg5[%add3A_294, %dma_start3A_297] : memref<10000x128xf32, #tpu.memory_space<vmem_shared>> -> memref<16x128xf32, #tpu.memory_space<vmem_shared>>
    tpu.enqueue_dma source(%arg10 : memref<16x128xf32, #tpu.memory_space<vmem>>) target(%dma_start3A_298 : memref<16x128xf32, #tpu.memory_space<vmem_shared>>) target_semaphore(%arg11 : memref<!tpu.dma_semaphore, #tpu.memory_space<semaphore_mem>>)
    %mul3A_299 = arith.constant 624 : i32
    %mul3A_300 = arith.muli %arg1, %mul3A_299 : i32
    %add3A_301 = arith.constant 576 : i32
    %add3A_302 = arith.addi %mul3A_300, %add3A_301 : i32
    %dma_start3A_303 = arith.constant 0 : i32
    %dma_start3A_304 = tpu.memref_slice %arg5[%add3A_302, %dma_start3A_303] : memref<10000x128xf32, #tpu.memory_space<vmem_shared>> -> memref<16x128xf32, #tpu.memory_space<vmem_shared>>
    %dma_start3A_305 = arith.constant 0 : i32
    %dma_start3A_306 = tpu.memref_slice %arg5[%add3A_302, %dma_start3A_305] : memref<10000x128xf32, #tpu.memory_space<vmem_shared>> -> memref<16x128xf32, #tpu.memory_space<vmem_shared>>
    tpu.enqueue_dma source(%arg10 : memref<16x128xf32, #tpu.memory_space<vmem>>) target(%dma_start3A_306 : memref<16x128xf32, #tpu.memory_space<vmem_shared>>) target_semaphore(%arg11 : memref<!tpu.dma_semaphore, #tpu.memory_space<semaphore_mem>>)
    %mul3A_307 = arith.constant 624 : i32
    %mul3A_308 = arith.muli %arg1, %mul3A_307 : i32
    %add3A_309 = arith.constant 592 : i32
    %add3A_310 = arith.addi %mul3A_308, %add3A_309 : i32
    %dma_start3A_311 = arith.constant 0 : i32
    %dma_start3A_312 = tpu.memref_slice %arg5[%add3A_310, %dma_start3A_311] : memref<10000x128xf32, #tpu.memory_space<vmem_shared>> -> memref<16x128xf32, #tpu.memory_space<vmem_shared>>
    %dma_start3A_313 = arith.constant 0 : i32
    %dma_start3A_314 = tpu.memref_slice %arg5[%add3A_310, %dma_start3A_313] : memref<10000x128xf32, #tpu.memory_space<vmem_shared>> -> memref<16x128xf32, #tpu.memory_space<vmem_shared>>
    tpu.enqueue_dma source(%arg10 : memref<16x128xf32, #tpu.memory_space<vmem>>) target(%dma_start3A_314 : memref<16x128xf32, #tpu.memory_space<vmem_shared>>) target_semaphore(%arg11 : memref<!tpu.dma_semaphore, #tpu.memory_space<semaphore_mem>>)
    %mul3A_315 = arith.constant 624 : i32
    %mul3A_316 = arith.muli %arg1, %mul3A_315 : i32
    %add3A_317 = arith.constant 608 : i32
    %add3A_318 = arith.addi %mul3A_316, %add3A_317 : i32
    %dma_start3A_319 = arith.constant 0 : i32
    %dma_start3A_320 = tpu.memref_slice %arg5[%add3A_318, %dma_start3A_319] : memref<10000x128xf32, #tpu.memory_space<vmem_shared>> -> memref<16x128xf32, #tpu.memory_space<vmem_shared>>
    %dma_start3A_321 = arith.constant 0 : i32
    %dma_start3A_322 = tpu.memref_slice %arg5[%add3A_318, %dma_start3A_321] : memref<10000x128xf32, #tpu.memory_space<vmem_shared>> -> memref<16x128xf32, #tpu.memory_space<vmem_shared>>
    tpu.enqueue_dma source(%arg10 : memref<16x128xf32, #tpu.memory_space<vmem>>) target(%dma_start3A_322 : memref<16x128xf32, #tpu.memory_space<vmem_shared>>) target_semaphore(%arg11 : memref<!tpu.dma_semaphore, #tpu.memory_space<semaphore_mem>>)
    %mul3A_323 = arith.constant 624 : i32
    %mul3A_324 = arith.muli %arg1, %mul3A_323 : i32
    %add3A_325 = arith.constant 624 : i32
    %add3A_326 = arith.addi %mul3A_324, %add3A_325 : i32
    %dma_start3A_327 = arith.constant 0 : i32
    %dma_start3A_328 = tpu.memref_slice %arg5[%add3A_326, %dma_start3A_327] : memref<10000x128xf32, #tpu.memory_space<vmem_shared>> -> memref<16x128xf32, #tpu.memory_space<vmem_shared>>
    %dma_start3A_329 = arith.constant 0 : i32
    %dma_start3A_330 = tpu.memref_slice %arg5[%add3A_326, %dma_start3A_329] : memref<10000x128xf32, #tpu.memory_space<vmem_shared>> -> memref<16x128xf32, #tpu.memory_space<vmem_shared>>
    tpu.enqueue_dma source(%arg10 : memref<16x128xf32, #tpu.memory_space<vmem>>) target(%dma_start3A_330 : memref<16x128xf32, #tpu.memory_space<vmem_shared>>) target_semaphore(%arg11 : memref<!tpu.dma_semaphore, #tpu.memory_space<semaphore_mem>>)
    %mul3A_331 = arith.constant 624 : i32
    %mul3A_332 = arith.muli %arg1, %mul3A_331 : i32
    %add3A_333 = arith.constant 0 : i32
    %add3A_334 = arith.addi %mul3A_332, %add3A_333 : i32
    %dma_wait3A = arith.constant 0 : i32
    %dma_wait3A_335 = tpu.memref_slice %arg5[%add3A_334, %dma_wait3A] : memref<10000x128xf32, #tpu.memory_space<vmem_shared>> -> memref<16x128xf32, #tpu.memory_space<vmem_shared>>
    %dma_wait3A_336 = arith.constant 0 : i32
    %dma_wait3A_337 = tpu.memref_slice %arg5[%add3A_334, %dma_wait3A_336] : memref<10000x128xf32, #tpu.memory_space<vmem_shared>> -> memref<16x128xf32, #tpu.memory_space<vmem_shared>>
    tpu.wait_dma2 semaphore(%arg11 : memref<!tpu.dma_semaphore, #tpu.memory_space<semaphore_mem>>) src(%arg10 : memref<16x128xf32, #tpu.memory_space<vmem>>) dst(%dma_wait3A_337 : memref<16x128xf32, #tpu.memory_space<vmem_shared>>)
    %mul3A_338 = arith.constant 624 : i32
    %mul3A_339 = arith.muli %arg1, %mul3A_338 : i32
    %add3A_340 = arith.constant 16 : i32
    %add3A_341 = arith.addi %mul3A_339, %add3A_340 : i32
    %dma_wait3A_342 = arith.constant 0 : i32
    %dma_wait3A_343 = tpu.memref_slice %arg5[%add3A_341, %dma_wait3A_342] : memref<10000x128xf32, #tpu.memory_space<vmem_shared>> -> memref<16x128xf32, #tpu.memory_space<vmem_shared>>
    %dma_wait3A_344 = arith.constant 0 : i32
    %dma_wait3A_345 = tpu.memref_slice %arg5[%add3A_341, %dma_wait3A_344] : memref<10000x128xf32, #tpu.memory_space<vmem_shared>> -> memref<16x128xf32, #tpu.memory_space<vmem_shared>>
    tpu.wait_dma2 semaphore(%arg11 : memref<!tpu.dma_semaphore, #tpu.memory_space<semaphore_mem>>) src(%arg10 : memref<16x128xf32, #tpu.memory_space<vmem>>) dst(%dma_wait3A_345 : memref<16x128xf32, #tpu.memory_space<vmem_shared>>)
    %mul3A_346 = arith.constant 624 : i32
    %mul3A_347 = arith.muli %arg1, %mul3A_346 : i32
    %add3A_348 = arith.constant 32 : i32
    %add3A_349 = arith.addi %mul3A_347, %add3A_348 : i32
    %dma_wait3A_350 = arith.constant 0 : i32
    %dma_wait3A_351 = tpu.memref_slice %arg5[%add3A_349, %dma_wait3A_350] : memref<10000x128xf32, #tpu.memory_space<vmem_shared>> -> memref<16x128xf32, #tpu.memory_space<vmem_shared>>
    %dma_wait3A_352 = arith.constant 0 : i32
    %dma_wait3A_353 = tpu.memref_slice %arg5[%add3A_349, %dma_wait3A_352] : memref<10000x128xf32, #tpu.memory_space<vmem_shared>> -> memref<16x128xf32, #tpu.memory_space<vmem_shared>>
    tpu.wait_dma2 semaphore(%arg11 : memref<!tpu.dma_semaphore, #tpu.memory_space<semaphore_mem>>) src(%arg10 : memref<16x128xf32, #tpu.memory_space<vmem>>) dst(%dma_wait3A_353 : memref<16x128xf32, #tpu.memory_space<vmem_shared>>)
    %mul3A_354 = arith.constant 624 : i32
    %mul3A_355 = arith.muli %arg1, %mul3A_354 : i32
    %add3A_356 = arith.constant 48 : i32
    %add3A_357 = arith.addi %mul3A_355, %add3A_356 : i32
    %dma_wait3A_358 = arith.constant 0 : i32
    %dma_wait3A_359 = tpu.memref_slice %arg5[%add3A_357, %dma_wait3A_358] : memref<10000x128xf32, #tpu.memory_space<vmem_shared>> -> memref<16x128xf32, #tpu.memory_space<vmem_shared>>
    %dma_wait3A_360 = arith.constant 0 : i32
    %dma_wait3A_361 = tpu.memref_slice %arg5[%add3A_357, %dma_wait3A_360] : memref<10000x128xf32, #tpu.memory_space<vmem_shared>> -> memref<16x128xf32, #tpu.memory_space<vmem_shared>>
    tpu.wait_dma2 semaphore(%arg11 : memref<!tpu.dma_semaphore, #tpu.memory_space<semaphore_mem>>) src(%arg10 : memref<16x128xf32, #tpu.memory_space<vmem>>) dst(%dma_wait3A_361 : memref<16x128xf32, #tpu.memory_space<vmem_shared>>)
    %mul3A_362 = arith.constant 624 : i32
    %mul3A_363 = arith.muli %arg1, %mul3A_362 : i32
    %add3A_364 = arith.constant 64 : i32
    %add3A_365 = arith.addi %mul3A_363, %add3A_364 : i32
    %dma_wait3A_366 = arith.constant 0 : i32
    %dma_wait3A_367 = tpu.memref_slice %arg5[%add3A_365, %dma_wait3A_366] : memref<10000x128xf32, #tpu.memory_space<vmem_shared>> -> memref<16x128xf32, #tpu.memory_space<vmem_shared>>
    %dma_wait3A_368 = arith.constant 0 : i32
    %dma_wait3A_369 = tpu.memref_slice %arg5[%add3A_365, %dma_wait3A_368] : memref<10000x128xf32, #tpu.memory_space<vmem_shared>> -> memref<16x128xf32, #tpu.memory_space<vmem_shared>>
    tpu.wait_dma2 semaphore(%arg11 : memref<!tpu.dma_semaphore, #tpu.memory_space<semaphore_mem>>) src(%arg10 : memref<16x128xf32, #tpu.memory_space<vmem>>) dst(%dma_wait3A_369 : memref<16x128xf32, #tpu.memory_space<vmem_shared>>)
    %mul3A_370 = arith.constant 624 : i32
    %mul3A_371 = arith.muli %arg1, %mul3A_370 : i32
    %add3A_372 = arith.constant 80 : i32
    %add3A_373 = arith.addi %mul3A_371, %add3A_372 : i32
    %dma_wait3A_374 = arith.constant 0 : i32
    %dma_wait3A_375 = tpu.memref_slice %arg5[%add3A_373, %dma_wait3A_374] : memref<10000x128xf32, #tpu.memory_space<vmem_shared>> -> memref<16x128xf32, #tpu.memory_space<vmem_shared>>
    %dma_wait3A_376 = arith.constant 0 : i32
    %dma_wait3A_377 = tpu.memref_slice %arg5[%add3A_373, %dma_wait3A_376] : memref<10000x128xf32, #tpu.memory_space<vmem_shared>> -> memref<16x128xf32, #tpu.memory_space<vmem_shared>>
    tpu.wait_dma2 semaphore(%arg11 : memref<!tpu.dma_semaphore, #tpu.memory_space<semaphore_mem>>) src(%arg10 : memref<16x128xf32, #tpu.memory_space<vmem>>) dst(%dma_wait3A_377 : memref<16x128xf32, #tpu.memory_space<vmem_shared>>)
    %mul3A_378 = arith.constant 624 : i32
    %mul3A_379 = arith.muli %arg1, %mul3A_378 : i32
    %add3A_380 = arith.constant 96 : i32
    %add3A_381 = arith.addi %mul3A_379, %add3A_380 : i32
    %dma_wait3A_382 = arith.constant 0 : i32
    %dma_wait3A_383 = tpu.memref_slice %arg5[%add3A_381, %dma_wait3A_382] : memref<10000x128xf32, #tpu.memory_space<vmem_shared>> -> memref<16x128xf32, #tpu.memory_space<vmem_shared>>
    %dma_wait3A_384 = arith.constant 0 : i32
    %dma_wait3A_385 = tpu.memref_slice %arg5[%add3A_381, %dma_wait3A_384] : memref<10000x128xf32, #tpu.memory_space<vmem_shared>> -> memref<16x128xf32, #tpu.memory_space<vmem_shared>>
    tpu.wait_dma2 semaphore(%arg11 : memref<!tpu.dma_semaphore, #tpu.memory_space<semaphore_mem>>) src(%arg10 : memref<16x128xf32, #tpu.memory_space<vmem>>) dst(%dma_wait3A_385 : memref<16x128xf32, #tpu.memory_space<vmem_shared>>)
    %mul3A_386 = arith.constant 624 : i32
    %mul3A_387 = arith.muli %arg1, %mul3A_386 : i32
    %add3A_388 = arith.constant 112 : i32
    %add3A_389 = arith.addi %mul3A_387, %add3A_388 : i32
    %dma_wait3A_390 = arith.constant 0 : i32
    %dma_wait3A_391 = tpu.memref_slice %arg5[%add3A_389, %dma_wait3A_390] : memref<10000x128xf32, #tpu.memory_space<vmem_shared>> -> memref<16x128xf32, #tpu.memory_space<vmem_shared>>
    %dma_wait3A_392 = arith.constant 0 : i32
    %dma_wait3A_393 = tpu.memref_slice %arg5[%add3A_389, %dma_wait3A_392] : memref<10000x128xf32, #tpu.memory_space<vmem_shared>> -> memref<16x128xf32, #tpu.memory_space<vmem_shared>>
    tpu.wait_dma2 semaphore(%arg11 : memref<!tpu.dma_semaphore, #tpu.memory_space<semaphore_mem>>) src(%arg10 : memref<16x128xf32, #tpu.memory_space<vmem>>) dst(%dma_wait3A_393 : memref<16x128xf32, #tpu.memory_space<vmem_shared>>)
    %mul3A_394 = arith.constant 624 : i32
    %mul3A_395 = arith.muli %arg1, %mul3A_394 : i32
    %add3A_396 = arith.constant 128 : i32
    %add3A_397 = arith.addi %mul3A_395, %add3A_396 : i32
    %dma_wait3A_398 = arith.constant 0 : i32
    %dma_wait3A_399 = tpu.memref_slice %arg5[%add3A_397, %dma_wait3A_398] : memref<10000x128xf32, #tpu.memory_space<vmem_shared>> -> memref<16x128xf32, #tpu.memory_space<vmem_shared>>
    %dma_wait3A_400 = arith.constant 0 : i32
    %dma_wait3A_401 = tpu.memref_slice %arg5[%add3A_397, %dma_wait3A_400] : memref<10000x128xf32, #tpu.memory_space<vmem_shared>> -> memref<16x128xf32, #tpu.memory_space<vmem_shared>>
    tpu.wait_dma2 semaphore(%arg11 : memref<!tpu.dma_semaphore, #tpu.memory_space<semaphore_mem>>) src(%arg10 : memref<16x128xf32, #tpu.memory_space<vmem>>) dst(%dma_wait3A_401 : memref<16x128xf32, #tpu.memory_space<vmem_shared>>)
    %mul3A_402 = arith.constant 624 : i32
    %mul3A_403 = arith.muli %arg1, %mul3A_402 : i32
    %add3A_404 = arith.constant 144 : i32
    %add3A_405 = arith.addi %mul3A_403, %add3A_404 : i32
    %dma_wait3A_406 = arith.constant 0 : i32
    %dma_wait3A_407 = tpu.memref_slice %arg5[%add3A_405, %dma_wait3A_406] : memref<10000x128xf32, #tpu.memory_space<vmem_shared>> -> memref<16x128xf32, #tpu.memory_space<vmem_shared>>
    %dma_wait3A_408 = arith.constant 0 : i32
    %dma_wait3A_409 = tpu.memref_slice %arg5[%add3A_405, %dma_wait3A_408] : memref<10000x128xf32, #tpu.memory_space<vmem_shared>> -> memref<16x128xf32, #tpu.memory_space<vmem_shared>>
    tpu.wait_dma2 semaphore(%arg11 : memref<!tpu.dma_semaphore, #tpu.memory_space<semaphore_mem>>) src(%arg10 : memref<16x128xf32, #tpu.memory_space<vmem>>) dst(%dma_wait3A_409 : memref<16x128xf32, #tpu.memory_space<vmem_shared>>)
    %mul3A_410 = arith.constant 624 : i32
    %mul3A_411 = arith.muli %arg1, %mul3A_410 : i32
    %add3A_412 = arith.constant 160 : i32
    %add3A_413 = arith.addi %mul3A_411, %add3A_412 : i32
    %dma_wait3A_414 = arith.constant 0 : i32
    %dma_wait3A_415 = tpu.memref_slice %arg5[%add3A_413, %dma_wait3A_414] : memref<10000x128xf32, #tpu.memory_space<vmem_shared>> -> memref<16x128xf32, #tpu.memory_space<vmem_shared>>
    %dma_wait3A_416 = arith.constant 0 : i32
    %dma_wait3A_417 = tpu.memref_slice %arg5[%add3A_413, %dma_wait3A_416] : memref<10000x128xf32, #tpu.memory_space<vmem_shared>> -> memref<16x128xf32, #tpu.memory_space<vmem_shared>>
    tpu.wait_dma2 semaphore(%arg11 : memref<!tpu.dma_semaphore, #tpu.memory_space<semaphore_mem>>) src(%arg10 : memref<16x128xf32, #tpu.memory_space<vmem>>) dst(%dma_wait3A_417 : memref<16x128xf32, #tpu.memory_space<vmem_shared>>)
    %mul3A_418 = arith.constant 624 : i32
    %mul3A_419 = arith.muli %arg1, %mul3A_418 : i32
    %add3A_420 = arith.constant 176 : i32
    %add3A_421 = arith.addi %mul3A_419, %add3A_420 : i32
    %dma_wait3A_422 = arith.constant 0 : i32
    %dma_wait3A_423 = tpu.memref_slice %arg5[%add3A_421, %dma_wait3A_422] : memref<10000x128xf32, #tpu.memory_space<vmem_shared>> -> memref<16x128xf32, #tpu.memory_space<vmem_shared>>
    %dma_wait3A_424 = arith.constant 0 : i32
    %dma_wait3A_425 = tpu.memref_slice %arg5[%add3A_421, %dma_wait3A_424] : memref<10000x128xf32, #tpu.memory_space<vmem_shared>> -> memref<16x128xf32, #tpu.memory_space<vmem_shared>>
    tpu.wait_dma2 semaphore(%arg11 : memref<!tpu.dma_semaphore, #tpu.memory_space<semaphore_mem>>) src(%arg10 : memref<16x128xf32, #tpu.memory_space<vmem>>) dst(%dma_wait3A_425 : memref<16x128xf32, #tpu.memory_space<vmem_shared>>)
    %mul3A_426 = arith.constant 624 : i32
    %mul3A_427 = arith.muli %arg1, %mul3A_426 : i32
    %add3A_428 = arith.constant 192 : i32
    %add3A_429 = arith.addi %mul3A_427, %add3A_428 : i32
    %dma_wait3A_430 = arith.constant 0 : i32
    %dma_wait3A_431 = tpu.memref_slice %arg5[%add3A_429, %dma_wait3A_430] : memref<10000x128xf32, #tpu.memory_space<vmem_shared>> -> memref<16x128xf32, #tpu.memory_space<vmem_shared>>
    %dma_wait3A_432 = arith.constant 0 : i32
    %dma_wait3A_433 = tpu.memref_slice %arg5[%add3A_429, %dma_wait3A_432] : memref<10000x128xf32, #tpu.memory_space<vmem_shared>> -> memref<16x128xf32, #tpu.memory_space<vmem_shared>>
    tpu.wait_dma2 semaphore(%arg11 : memref<!tpu.dma_semaphore, #tpu.memory_space<semaphore_mem>>) src(%arg10 : memref<16x128xf32, #tpu.memory_space<vmem>>) dst(%dma_wait3A_433 : memref<16x128xf32, #tpu.memory_space<vmem_shared>>)
    %mul3A_434 = arith.constant 624 : i32
    %mul3A_435 = arith.muli %arg1, %mul3A_434 : i32
    %add3A_436 = arith.constant 208 : i32
    %add3A_437 = arith.addi %mul3A_435, %add3A_436 : i32
    %dma_wait3A_438 = arith.constant 0 : i32
    %dma_wait3A_439 = tpu.memref_slice %arg5[%add3A_437, %dma_wait3A_438] : memref<10000x128xf32, #tpu.memory_space<vmem_shared>> -> memref<16x128xf32, #tpu.memory_space<vmem_shared>>
    %dma_wait3A_440 = arith.constant 0 : i32
    %dma_wait3A_441 = tpu.memref_slice %arg5[%add3A_437, %dma_wait3A_440] : memref<10000x128xf32, #tpu.memory_space<vmem_shared>> -> memref<16x128xf32, #tpu.memory_space<vmem_shared>>
    tpu.wait_dma2 semaphore(%arg11 : memref<!tpu.dma_semaphore, #tpu.memory_space<semaphore_mem>>) src(%arg10 : memref<16x128xf32, #tpu.memory_space<vmem>>) dst(%dma_wait3A_441 : memref<16x128xf32, #tpu.memory_space<vmem_shared>>)
    %mul3A_442 = arith.constant 624 : i32
    %mul3A_443 = arith.muli %arg1, %mul3A_442 : i32
    %add3A_444 = arith.constant 224 : i32
    %add3A_445 = arith.addi %mul3A_443, %add3A_444 : i32
    %dma_wait3A_446 = arith.constant 0 : i32
    %dma_wait3A_447 = tpu.memref_slice %arg5[%add3A_445, %dma_wait3A_446] : memref<10000x128xf32, #tpu.memory_space<vmem_shared>> -> memref<16x128xf32, #tpu.memory_space<vmem_shared>>
    %dma_wait3A_448 = arith.constant 0 : i32
    %dma_wait3A_449 = tpu.memref_slice %arg5[%add3A_445, %dma_wait3A_448] : memref<10000x128xf32, #tpu.memory_space<vmem_shared>> -> memref<16x128xf32, #tpu.memory_space<vmem_shared>>
    tpu.wait_dma2 semaphore(%arg11 : memref<!tpu.dma_semaphore, #tpu.memory_space<semaphore_mem>>) src(%arg10 : memref<16x128xf32, #tpu.memory_space<vmem>>) dst(%dma_wait3A_449 : memref<16x128xf32, #tpu.memory_space<vmem_shared>>)
    %mul3A_450 = arith.constant 624 : i32
    %mul3A_451 = arith.muli %arg1, %mul3A_450 : i32
    %add3A_452 = arith.constant 240 : i32
    %add3A_453 = arith.addi %mul3A_451, %add3A_452 : i32
    %dma_wait3A_454 = arith.constant 0 : i32
    %dma_wait3A_455 = tpu.memref_slice %arg5[%add3A_453, %dma_wait3A_454] : memref<10000x128xf32, #tpu.memory_space<vmem_shared>> -> memref<16x128xf32, #tpu.memory_space<vmem_shared>>
    %dma_wait3A_456 = arith.constant 0 : i32
    %dma_wait3A_457 = tpu.memref_slice %arg5[%add3A_453, %dma_wait3A_456] : memref<10000x128xf32, #tpu.memory_space<vmem_shared>> -> memref<16x128xf32, #tpu.memory_space<vmem_shared>>
    tpu.wait_dma2 semaphore(%arg11 : memref<!tpu.dma_semaphore, #tpu.memory_space<semaphore_mem>>) src(%arg10 : memref<16x128xf32, #tpu.memory_space<vmem>>) dst(%dma_wait3A_457 : memref<16x128xf32, #tpu.memory_space<vmem_shared>>)
    %mul3A_458 = arith.constant 624 : i32
    %mul3A_459 = arith.muli %arg1, %mul3A_458 : i32
    %add3A_460 = arith.constant 256 : i32
    %add3A_461 = arith.addi %mul3A_459, %add3A_460 : i32
    %dma_wait3A_462 = arith.constant 0 : i32
    %dma_wait3A_463 = tpu.memref_slice %arg5[%add3A_461, %dma_wait3A_462] : memref<10000x128xf32, #tpu.memory_space<vmem_shared>> -> memref<16x128xf32, #tpu.memory_space<vmem_shared>>
    %dma_wait3A_464 = arith.constant 0 : i32
    %dma_wait3A_465 = tpu.memref_slice %arg5[%add3A_461, %dma_wait3A_464] : memref<10000x128xf32, #tpu.memory_space<vmem_shared>> -> memref<16x128xf32, #tpu.memory_space<vmem_shared>>
    tpu.wait_dma2 semaphore(%arg11 : memref<!tpu.dma_semaphore, #tpu.memory_space<semaphore_mem>>) src(%arg10 : memref<16x128xf32, #tpu.memory_space<vmem>>) dst(%dma_wait3A_465 : memref<16x128xf32, #tpu.memory_space<vmem_shared>>)
    %mul3A_466 = arith.constant 624 : i32
    %mul3A_467 = arith.muli %arg1, %mul3A_466 : i32
    %add3A_468 = arith.constant 272 : i32
    %add3A_469 = arith.addi %mul3A_467, %add3A_468 : i32
    %dma_wait3A_470 = arith.constant 0 : i32
    %dma_wait3A_471 = tpu.memref_slice %arg5[%add3A_469, %dma_wait3A_470] : memref<10000x128xf32, #tpu.memory_space<vmem_shared>> -> memref<16x128xf32, #tpu.memory_space<vmem_shared>>
    %dma_wait3A_472 = arith.constant 0 : i32
    %dma_wait3A_473 = tpu.memref_slice %arg5[%add3A_469, %dma_wait3A_472] : memref<10000x128xf32, #tpu.memory_space<vmem_shared>> -> memref<16x128xf32, #tpu.memory_space<vmem_shared>>
    tpu.wait_dma2 semaphore(%arg11 : memref<!tpu.dma_semaphore, #tpu.memory_space<semaphore_mem>>) src(%arg10 : memref<16x128xf32, #tpu.memory_space<vmem>>) dst(%dma_wait3A_473 : memref<16x128xf32, #tpu.memory_space<vmem_shared>>)
    %mul3A_474 = arith.constant 624 : i32
    %mul3A_475 = arith.muli %arg1, %mul3A_474 : i32
    %add3A_476 = arith.constant 288 : i32
    %add3A_477 = arith.addi %mul3A_475, %add3A_476 : i32
    %dma_wait3A_478 = arith.constant 0 : i32
    %dma_wait3A_479 = tpu.memref_slice %arg5[%add3A_477, %dma_wait3A_478] : memref<10000x128xf32, #tpu.memory_space<vmem_shared>> -> memref<16x128xf32, #tpu.memory_space<vmem_shared>>
    %dma_wait3A_480 = arith.constant 0 : i32
    %dma_wait3A_481 = tpu.memref_slice %arg5[%add3A_477, %dma_wait3A_480] : memref<10000x128xf32, #tpu.memory_space<vmem_shared>> -> memref<16x128xf32, #tpu.memory_space<vmem_shared>>
    tpu.wait_dma2 semaphore(%arg11 : memref<!tpu.dma_semaphore, #tpu.memory_space<semaphore_mem>>) src(%arg10 : memref<16x128xf32, #tpu.memory_space<vmem>>) dst(%dma_wait3A_481 : memref<16x128xf32, #tpu.memory_space<vmem_shared>>)
    %mul3A_482 = arith.constant 624 : i32
    %mul3A_483 = arith.muli %arg1, %mul3A_482 : i32
    %add3A_484 = arith.constant 304 : i32
    %add3A_485 = arith.addi %mul3A_483, %add3A_484 : i32
    %dma_wait3A_486 = arith.constant 0 : i32
    %dma_wait3A_487 = tpu.memref_slice %arg5[%add3A_485, %dma_wait3A_486] : memref<10000x128xf32, #tpu.memory_space<vmem_shared>> -> memref<16x128xf32, #tpu.memory_space<vmem_shared>>
    %dma_wait3A_488 = arith.constant 0 : i32
    %dma_wait3A_489 = tpu.memref_slice %arg5[%add3A_485, %dma_wait3A_488] : memref<10000x128xf32, #tpu.memory_space<vmem_shared>> -> memref<16x128xf32, #tpu.memory_space<vmem_shared>>
    tpu.wait_dma2 semaphore(%arg11 : memref<!tpu.dma_semaphore, #tpu.memory_space<semaphore_mem>>) src(%arg10 : memref<16x128xf32, #tpu.memory_space<vmem>>) dst(%dma_wait3A_489 : memref<16x128xf32, #tpu.memory_space<vmem_shared>>)
    %mul3A_490 = arith.constant 624 : i32
    %mul3A_491 = arith.muli %arg1, %mul3A_490 : i32
    %add3A_492 = arith.constant 320 : i32
    %add3A_493 = arith.addi %mul3A_491, %add3A_492 : i32
    %dma_wait3A_494 = arith.constant 0 : i32
    %dma_wait3A_495 = tpu.memref_slice %arg5[%add3A_493, %dma_wait3A_494] : memref<10000x128xf32, #tpu.memory_space<vmem_shared>> -> memref<16x128xf32, #tpu.memory_space<vmem_shared>>
    %dma_wait3A_496 = arith.constant 0 : i32
    %dma_wait3A_497 = tpu.memref_slice %arg5[%add3A_493, %dma_wait3A_496] : memref<10000x128xf32, #tpu.memory_space<vmem_shared>> -> memref<16x128xf32, #tpu.memory_space<vmem_shared>>
    tpu.wait_dma2 semaphore(%arg11 : memref<!tpu.dma_semaphore, #tpu.memory_space<semaphore_mem>>) src(%arg10 : memref<16x128xf32, #tpu.memory_space<vmem>>) dst(%dma_wait3A_497 : memref<16x128xf32, #tpu.memory_space<vmem_shared>>)
    %mul3A_498 = arith.constant 624 : i32
    %mul3A_499 = arith.muli %arg1, %mul3A_498 : i32
    %add3A_500 = arith.constant 336 : i32
    %add3A_501 = arith.addi %mul3A_499, %add3A_500 : i32
    %dma_wait3A_502 = arith.constant 0 : i32
    %dma_wait3A_503 = tpu.memref_slice %arg5[%add3A_501, %dma_wait3A_502] : memref<10000x128xf32, #tpu.memory_space<vmem_shared>> -> memref<16x128xf32, #tpu.memory_space<vmem_shared>>
    %dma_wait3A_504 = arith.constant 0 : i32
    %dma_wait3A_505 = tpu.memref_slice %arg5[%add3A_501, %dma_wait3A_504] : memref<10000x128xf32, #tpu.memory_space<vmem_shared>> -> memref<16x128xf32, #tpu.memory_space<vmem_shared>>
    tpu.wait_dma2 semaphore(%arg11 : memref<!tpu.dma_semaphore, #tpu.memory_space<semaphore_mem>>) src(%arg10 : memref<16x128xf32, #tpu.memory_space<vmem>>) dst(%dma_wait3A_505 : memref<16x128xf32, #tpu.memory_space<vmem_shared>>)
    %mul3A_506 = arith.constant 624 : i32
    %mul3A_507 = arith.muli %arg1, %mul3A_506 : i32
    %add3A_508 = arith.constant 352 : i32
    %add3A_509 = arith.addi %mul3A_507, %add3A_508 : i32
    %dma_wait3A_510 = arith.constant 0 : i32
    %dma_wait3A_511 = tpu.memref_slice %arg5[%add3A_509, %dma_wait3A_510] : memref<10000x128xf32, #tpu.memory_space<vmem_shared>> -> memref<16x128xf32, #tpu.memory_space<vmem_shared>>
    %dma_wait3A_512 = arith.constant 0 : i32
    %dma_wait3A_513 = tpu.memref_slice %arg5[%add3A_509, %dma_wait3A_512] : memref<10000x128xf32, #tpu.memory_space<vmem_shared>> -> memref<16x128xf32, #tpu.memory_space<vmem_shared>>
    tpu.wait_dma2 semaphore(%arg11 : memref<!tpu.dma_semaphore, #tpu.memory_space<semaphore_mem>>) src(%arg10 : memref<16x128xf32, #tpu.memory_space<vmem>>) dst(%dma_wait3A_513 : memref<16x128xf32, #tpu.memory_space<vmem_shared>>)
    %mul3A_514 = arith.constant 624 : i32
    %mul3A_515 = arith.muli %arg1, %mul3A_514 : i32
    %add3A_516 = arith.constant 368 : i32
    %add3A_517 = arith.addi %mul3A_515, %add3A_516 : i32
    %dma_wait3A_518 = arith.constant 0 : i32
    %dma_wait3A_519 = tpu.memref_slice %arg5[%add3A_517, %dma_wait3A_518] : memref<10000x128xf32, #tpu.memory_space<vmem_shared>> -> memref<16x128xf32, #tpu.memory_space<vmem_shared>>
    %dma_wait3A_520 = arith.constant 0 : i32
    %dma_wait3A_521 = tpu.memref_slice %arg5[%add3A_517, %dma_wait3A_520] : memref<10000x128xf32, #tpu.memory_space<vmem_shared>> -> memref<16x128xf32, #tpu.memory_space<vmem_shared>>
    tpu.wait_dma2 semaphore(%arg11 : memref<!tpu.dma_semaphore, #tpu.memory_space<semaphore_mem>>) src(%arg10 : memref<16x128xf32, #tpu.memory_space<vmem>>) dst(%dma_wait3A_521 : memref<16x128xf32, #tpu.memory_space<vmem_shared>>)
    %mul3A_522 = arith.constant 624 : i32
    %mul3A_523 = arith.muli %arg1, %mul3A_522 : i32
    %add3A_524 = arith.constant 384 : i32
    %add3A_525 = arith.addi %mul3A_523, %add3A_524 : i32
    %dma_wait3A_526 = arith.constant 0 : i32
    %dma_wait3A_527 = tpu.memref_slice %arg5[%add3A_525, %dma_wait3A_526] : memref<10000x128xf32, #tpu.memory_space<vmem_shared>> -> memref<16x128xf32, #tpu.memory_space<vmem_shared>>
    %dma_wait3A_528 = arith.constant 0 : i32
    %dma_wait3A_529 = tpu.memref_slice %arg5[%add3A_525, %dma_wait3A_528] : memref<10000x128xf32, #tpu.memory_space<vmem_shared>> -> memref<16x128xf32, #tpu.memory_space<vmem_shared>>
    tpu.wait_dma2 semaphore(%arg11 : memref<!tpu.dma_semaphore, #tpu.memory_space<semaphore_mem>>) src(%arg10 : memref<16x128xf32, #tpu.memory_space<vmem>>) dst(%dma_wait3A_529 : memref<16x128xf32, #tpu.memory_space<vmem_shared>>)
    %mul3A_530 = arith.constant 624 : i32
    %mul3A_531 = arith.muli %arg1, %mul3A_530 : i32
    %add3A_532 = arith.constant 400 : i32
    %add3A_533 = arith.addi %mul3A_531, %add3A_532 : i32
    %dma_wait3A_534 = arith.constant 0 : i32
    %dma_wait3A_535 = tpu.memref_slice %arg5[%add3A_533, %dma_wait3A_534] : memref<10000x128xf32, #tpu.memory_space<vmem_shared>> -> memref<16x128xf32, #tpu.memory_space<vmem_shared>>
    %dma_wait3A_536 = arith.constant 0 : i32
    %dma_wait3A_537 = tpu.memref_slice %arg5[%add3A_533, %dma_wait3A_536] : memref<10000x128xf32, #tpu.memory_space<vmem_shared>> -> memref<16x128xf32, #tpu.memory_space<vmem_shared>>
    tpu.wait_dma2 semaphore(%arg11 : memref<!tpu.dma_semaphore, #tpu.memory_space<semaphore_mem>>) src(%arg10 : memref<16x128xf32, #tpu.memory_space<vmem>>) dst(%dma_wait3A_537 : memref<16x128xf32, #tpu.memory_space<vmem_shared>>)
    %mul3A_538 = arith.constant 624 : i32
    %mul3A_539 = arith.muli %arg1, %mul3A_538 : i32
    %add3A_540 = arith.constant 416 : i32
    %add3A_541 = arith.addi %mul3A_539, %add3A_540 : i32
    %dma_wait3A_542 = arith.constant 0 : i32
    %dma_wait3A_543 = tpu.memref_slice %arg5[%add3A_541, %dma_wait3A_542] : memref<10000x128xf32, #tpu.memory_space<vmem_shared>> -> memref<16x128xf32, #tpu.memory_space<vmem_shared>>
    %dma_wait3A_544 = arith.constant 0 : i32
    %dma_wait3A_545 = tpu.memref_slice %arg5[%add3A_541, %dma_wait3A_544] : memref<10000x128xf32, #tpu.memory_space<vmem_shared>> -> memref<16x128xf32, #tpu.memory_space<vmem_shared>>
    tpu.wait_dma2 semaphore(%arg11 : memref<!tpu.dma_semaphore, #tpu.memory_space<semaphore_mem>>) src(%arg10 : memref<16x128xf32, #tpu.memory_space<vmem>>) dst(%dma_wait3A_545 : memref<16x128xf32, #tpu.memory_space<vmem_shared>>)
    %mul3A_546 = arith.constant 624 : i32
    %mul3A_547 = arith.muli %arg1, %mul3A_546 : i32
    %add3A_548 = arith.constant 432 : i32
    %add3A_549 = arith.addi %mul3A_547, %add3A_548 : i32
    %dma_wait3A_550 = arith.constant 0 : i32
    %dma_wait3A_551 = tpu.memref_slice %arg5[%add3A_549, %dma_wait3A_550] : memref<10000x128xf32, #tpu.memory_space<vmem_shared>> -> memref<16x128xf32, #tpu.memory_space<vmem_shared>>
    %dma_wait3A_552 = arith.constant 0 : i32
    %dma_wait3A_553 = tpu.memref_slice %arg5[%add3A_549, %dma_wait3A_552] : memref<10000x128xf32, #tpu.memory_space<vmem_shared>> -> memref<16x128xf32, #tpu.memory_space<vmem_shared>>
    tpu.wait_dma2 semaphore(%arg11 : memref<!tpu.dma_semaphore, #tpu.memory_space<semaphore_mem>>) src(%arg10 : memref<16x128xf32, #tpu.memory_space<vmem>>) dst(%dma_wait3A_553 : memref<16x128xf32, #tpu.memory_space<vmem_shared>>)
    %mul3A_554 = arith.constant 624 : i32
    %mul3A_555 = arith.muli %arg1, %mul3A_554 : i32
    %add3A_556 = arith.constant 448 : i32
    %add3A_557 = arith.addi %mul3A_555, %add3A_556 : i32
    %dma_wait3A_558 = arith.constant 0 : i32
    %dma_wait3A_559 = tpu.memref_slice %arg5[%add3A_557, %dma_wait3A_558] : memref<10000x128xf32, #tpu.memory_space<vmem_shared>> -> memref<16x128xf32, #tpu.memory_space<vmem_shared>>
    %dma_wait3A_560 = arith.constant 0 : i32
    %dma_wait3A_561 = tpu.memref_slice %arg5[%add3A_557, %dma_wait3A_560] : memref<10000x128xf32, #tpu.memory_space<vmem_shared>> -> memref<16x128xf32, #tpu.memory_space<vmem_shared>>
    tpu.wait_dma2 semaphore(%arg11 : memref<!tpu.dma_semaphore, #tpu.memory_space<semaphore_mem>>) src(%arg10 : memref<16x128xf32, #tpu.memory_space<vmem>>) dst(%dma_wait3A_561 : memref<16x128xf32, #tpu.memory_space<vmem_shared>>)
    %mul3A_562 = arith.constant 624 : i32
    %mul3A_563 = arith.muli %arg1, %mul3A_562 : i32
    %add3A_564 = arith.constant 464 : i32
    %add3A_565 = arith.addi %mul3A_563, %add3A_564 : i32
    %dma_wait3A_566 = arith.constant 0 : i32
    %dma_wait3A_567 = tpu.memref_slice %arg5[%add3A_565, %dma_wait3A_566] : memref<10000x128xf32, #tpu.memory_space<vmem_shared>> -> memref<16x128xf32, #tpu.memory_space<vmem_shared>>
    %dma_wait3A_568 = arith.constant 0 : i32
    %dma_wait3A_569 = tpu.memref_slice %arg5[%add3A_565, %dma_wait3A_568] : memref<10000x128xf32, #tpu.memory_space<vmem_shared>> -> memref<16x128xf32, #tpu.memory_space<vmem_shared>>
    tpu.wait_dma2 semaphore(%arg11 : memref<!tpu.dma_semaphore, #tpu.memory_space<semaphore_mem>>) src(%arg10 : memref<16x128xf32, #tpu.memory_space<vmem>>) dst(%dma_wait3A_569 : memref<16x128xf32, #tpu.memory_space<vmem_shared>>)
    %mul3A_570 = arith.constant 624 : i32
    %mul3A_571 = arith.muli %arg1, %mul3A_570 : i32
    %add3A_572 = arith.constant 480 : i32
    %add3A_573 = arith.addi %mul3A_571, %add3A_572 : i32
    %dma_wait3A_574 = arith.constant 0 : i32
    %dma_wait3A_575 = tpu.memref_slice %arg5[%add3A_573, %dma_wait3A_574] : memref<10000x128xf32, #tpu.memory_space<vmem_shared>> -> memref<16x128xf32, #tpu.memory_space<vmem_shared>>
    %dma_wait3A_576 = arith.constant 0 : i32
    %dma_wait3A_577 = tpu.memref_slice %arg5[%add3A_573, %dma_wait3A_576] : memref<10000x128xf32, #tpu.memory_space<vmem_shared>> -> memref<16x128xf32, #tpu.memory_space<vmem_shared>>
    tpu.wait_dma2 semaphore(%arg11 : memref<!tpu.dma_semaphore, #tpu.memory_space<semaphore_mem>>) src(%arg10 : memref<16x128xf32, #tpu.memory_space<vmem>>) dst(%dma_wait3A_577 : memref<16x128xf32, #tpu.memory_space<vmem_shared>>)
    %mul3A_578 = arith.constant 624 : i32
    %mul3A_579 = arith.muli %arg1, %mul3A_578 : i32
    %add3A_580 = arith.constant 496 : i32
    %add3A_581 = arith.addi %mul3A_579, %add3A_580 : i32
    %dma_wait3A_582 = arith.constant 0 : i32
    %dma_wait3A_583 = tpu.memref_slice %arg5[%add3A_581, %dma_wait3A_582] : memref<10000x128xf32, #tpu.memory_space<vmem_shared>> -> memref<16x128xf32, #tpu.memory_space<vmem_shared>>
    %dma_wait3A_584 = arith.constant 0 : i32
    %dma_wait3A_585 = tpu.memref_slice %arg5[%add3A_581, %dma_wait3A_584] : memref<10000x128xf32, #tpu.memory_space<vmem_shared>> -> memref<16x128xf32, #tpu.memory_space<vmem_shared>>
    tpu.wait_dma2 semaphore(%arg11 : memref<!tpu.dma_semaphore, #tpu.memory_space<semaphore_mem>>) src(%arg10 : memref<16x128xf32, #tpu.memory_space<vmem>>) dst(%dma_wait3A_585 : memref<16x128xf32, #tpu.memory_space<vmem_shared>>)
    %mul3A_586 = arith.constant 624 : i32
    %mul3A_587 = arith.muli %arg1, %mul3A_586 : i32
    %add3A_588 = arith.constant 512 : i32
    %add3A_589 = arith.addi %mul3A_587, %add3A_588 : i32
    %dma_wait3A_590 = arith.constant 0 : i32
    %dma_wait3A_591 = tpu.memref_slice %arg5[%add3A_589, %dma_wait3A_590] : memref<10000x128xf32, #tpu.memory_space<vmem_shared>> -> memref<16x128xf32, #tpu.memory_space<vmem_shared>>
    %dma_wait3A_592 = arith.constant 0 : i32
    %dma_wait3A_593 = tpu.memref_slice %arg5[%add3A_589, %dma_wait3A_592] : memref<10000x128xf32, #tpu.memory_space<vmem_shared>> -> memref<16x128xf32, #tpu.memory_space<vmem_shared>>
    tpu.wait_dma2 semaphore(%arg11 : memref<!tpu.dma_semaphore, #tpu.memory_space<semaphore_mem>>) src(%arg10 : memref<16x128xf32, #tpu.memory_space<vmem>>) dst(%dma_wait3A_593 : memref<16x128xf32, #tpu.memory_space<vmem_shared>>)
    %mul3A_594 = arith.constant 624 : i32
    %mul3A_595 = arith.muli %arg1, %mul3A_594 : i32
    %add3A_596 = arith.constant 528 : i32
    %add3A_597 = arith.addi %mul3A_595, %add3A_596 : i32
    %dma_wait3A_598 = arith.constant 0 : i32
    %dma_wait3A_599 = tpu.memref_slice %arg5[%add3A_597, %dma_wait3A_598] : memref<10000x128xf32, #tpu.memory_space<vmem_shared>> -> memref<16x128xf32, #tpu.memory_space<vmem_shared>>
    %dma_wait3A_600 = arith.constant 0 : i32
    %dma_wait3A_601 = tpu.memref_slice %arg5[%add3A_597, %dma_wait3A_600] : memref<10000x128xf32, #tpu.memory_space<vmem_shared>> -> memref<16x128xf32, #tpu.memory_space<vmem_shared>>
    tpu.wait_dma2 semaphore(%arg11 : memref<!tpu.dma_semaphore, #tpu.memory_space<semaphore_mem>>) src(%arg10 : memref<16x128xf32, #tpu.memory_space<vmem>>) dst(%dma_wait3A_601 : memref<16x128xf32, #tpu.memory_space<vmem_shared>>)
    %mul3A_602 = arith.constant 624 : i32
    %mul3A_603 = arith.muli %arg1, %mul3A_602 : i32
    %add3A_604 = arith.constant 544 : i32
    %add3A_605 = arith.addi %mul3A_603, %add3A_604 : i32
    %dma_wait3A_606 = arith.constant 0 : i32
    %dma_wait3A_607 = tpu.memref_slice %arg5[%add3A_605, %dma_wait3A_606] : memref<10000x128xf32, #tpu.memory_space<vmem_shared>> -> memref<16x128xf32, #tpu.memory_space<vmem_shared>>
    %dma_wait3A_608 = arith.constant 0 : i32
    %dma_wait3A_609 = tpu.memref_slice %arg5[%add3A_605, %dma_wait3A_608] : memref<10000x128xf32, #tpu.memory_space<vmem_shared>> -> memref<16x128xf32, #tpu.memory_space<vmem_shared>>
    tpu.wait_dma2 semaphore(%arg11 : memref<!tpu.dma_semaphore, #tpu.memory_space<semaphore_mem>>) src(%arg10 : memref<16x128xf32, #tpu.memory_space<vmem>>) dst(%dma_wait3A_609 : memref<16x128xf32, #tpu.memory_space<vmem_shared>>)
    %mul3A_610 = arith.constant 624 : i32
    %mul3A_611 = arith.muli %arg1, %mul3A_610 : i32
    %add3A_612 = arith.constant 560 : i32
    %add3A_613 = arith.addi %mul3A_611, %add3A_612 : i32
    %dma_wait3A_614 = arith.constant 0 : i32
    %dma_wait3A_615 = tpu.memref_slice %arg5[%add3A_613, %dma_wait3A_614] : memref<10000x128xf32, #tpu.memory_space<vmem_shared>> -> memref<16x128xf32, #tpu.memory_space<vmem_shared>>
    %dma_wait3A_616 = arith.constant 0 : i32
    %dma_wait3A_617 = tpu.memref_slice %arg5[%add3A_613, %dma_wait3A_616] : memref<10000x128xf32, #tpu.memory_space<vmem_shared>> -> memref<16x128xf32, #tpu.memory_space<vmem_shared>>
    tpu.wait_dma2 semaphore(%arg11 : memref<!tpu.dma_semaphore, #tpu.memory_space<semaphore_mem>>) src(%arg10 : memref<16x128xf32, #tpu.memory_space<vmem>>) dst(%dma_wait3A_617 : memref<16x128xf32, #tpu.memory_space<vmem_shared>>)
    %mul3A_618 = arith.constant 624 : i32
    %mul3A_619 = arith.muli %arg1, %mul3A_618 : i32
    %add3A_620 = arith.constant 576 : i32
    %add3A_621 = arith.addi %mul3A_619, %add3A_620 : i32
    %dma_wait3A_622 = arith.constant 0 : i32
    %dma_wait3A_623 = tpu.memref_slice %arg5[%add3A_621, %dma_wait3A_622] : memref<10000x128xf32, #tpu.memory_space<vmem_shared>> -> memref<16x128xf32, #tpu.memory_space<vmem_shared>>
    %dma_wait3A_624 = arith.constant 0 : i32
    %dma_wait3A_625 = tpu.memref_slice %arg5[%add3A_621, %dma_wait3A_624] : memref<10000x128xf32, #tpu.memory_space<vmem_shared>> -> memref<16x128xf32, #tpu.memory_space<vmem_shared>>
    tpu.wait_dma2 semaphore(%arg11 : memref<!tpu.dma_semaphore, #tpu.memory_space<semaphore_mem>>) src(%arg10 : memref<16x128xf32, #tpu.memory_space<vmem>>) dst(%dma_wait3A_625 : memref<16x128xf32, #tpu.memory_space<vmem_shared>>)
    %mul3A_626 = arith.constant 624 : i32
    %mul3A_627 = arith.muli %arg1, %mul3A_626 : i32
    %add3A_628 = arith.constant 592 : i32
    %add3A_629 = arith.addi %mul3A_627, %add3A_628 : i32
    %dma_wait3A_630 = arith.constant 0 : i32
    %dma_wait3A_631 = tpu.memref_slice %arg5[%add3A_629, %dma_wait3A_630] : memref<10000x128xf32, #tpu.memory_space<vmem_shared>> -> memref<16x128xf32, #tpu.memory_space<vmem_shared>>
    %dma_wait3A_632 = arith.constant 0 : i32
    %dma_wait3A_633 = tpu.memref_slice %arg5[%add3A_629, %dma_wait3A_632] : memref<10000x128xf32, #tpu.memory_space<vmem_shared>> -> memref<16x128xf32, #tpu.memory_space<vmem_shared>>
    tpu.wait_dma2 semaphore(%arg11 : memref<!tpu.dma_semaphore, #tpu.memory_space<semaphore_mem>>) src(%arg10 : memref<16x128xf32, #tpu.memory_space<vmem>>) dst(%dma_wait3A_633 : memref<16x128xf32, #tpu.memory_space<vmem_shared>>)
    %mul3A_634 = arith.constant 624 : i32
    %mul3A_635 = arith.muli %arg1, %mul3A_634 : i32
    %add3A_636 = arith.constant 608 : i32
    %add3A_637 = arith.addi %mul3A_635, %add3A_636 : i32
    %dma_wait3A_638 = arith.constant 0 : i32
    %dma_wait3A_639 = tpu.memref_slice %arg5[%add3A_637, %dma_wait3A_638] : memref<10000x128xf32, #tpu.memory_space<vmem_shared>> -> memref<16x128xf32, #tpu.memory_space<vmem_shared>>
    %dma_wait3A_640 = arith.constant 0 : i32
    %dma_wait3A_641 = tpu.memref_slice %arg5[%add3A_637, %dma_wait3A_640] : memref<10000x128xf32, #tpu.memory_space<vmem_shared>> -> memref<16x128xf32, #tpu.memory_space<vmem_shared>>
    tpu.wait_dma2 semaphore(%arg11 : memref<!tpu.dma_semaphore, #tpu.memory_space<semaphore_mem>>) src(%arg10 : memref<16x128xf32, #tpu.memory_space<vmem>>) dst(%dma_wait3A_641 : memref<16x128xf32, #tpu.memory_space<vmem_shared>>)
    %mul3A_642 = arith.constant 624 : i32
    %mul3A_643 = arith.muli %arg1, %mul3A_642 : i32
    %add3A_644 = arith.constant 624 : i32
    %add3A_645 = arith.addi %mul3A_643, %add3A_644 : i32
    %dma_wait3A_646 = arith.constant 0 : i32
    %dma_wait3A_647 = tpu.memref_slice %arg5[%add3A_645, %dma_wait3A_646] : memref<10000x128xf32, #tpu.memory_space<vmem_shared>> -> memref<16x128xf32, #tpu.memory_space<vmem_shared>>
    %dma_wait3A_648 = arith.constant 0 : i32
    %dma_wait3A_649 = tpu.memref_slice %arg5[%add3A_645, %dma_wait3A_648] : memref<10000x128xf32, #tpu.memory_space<vmem_shared>> -> memref<16x128xf32, #tpu.memory_space<vmem_shared>>
    tpu.wait_dma2 semaphore(%arg11 : memref<!tpu.dma_semaphore, #tpu.memory_space<semaphore_mem>>) src(%arg10 : memref<16x128xf32, #tpu.memory_space<vmem>>) dst(%dma_wait3A_649 : memref<16x128xf32, #tpu.memory_space<vmem_shared>>)
    %barrier3A = arith.constant 0 : index
    tpu.barrier barrier_id(%barrier3A)
    "tpu.region"() ({
      %run_scoped3A = tpu.sem_alloc : memref<!tpu.dma_semaphore, #tpu.memory_space<semaphore_mem>>
      %dma_start3A_710 = arith.constant 0 : i32
      %dma_start3A_711 = tpu.memref_slice %arg2[%add3A_4, %dma_start3A_710] : memref<5000x128xi32, #tpu.memory_space<hbm>> -> memref<40x128xi32, #tpu.memory_space<hbm>>
      %dma_start3A_712 = arith.constant 0 : i32
      %dma_start3A_713 = tpu.memref_slice %arg2[%add3A_4, %dma_start3A_712] : memref<5000x128xi32, #tpu.memory_space<hbm>> -> memref<40x128xi32, #tpu.memory_space<hbm>>
      tpu.enqueue_dma source(%dma_start3A_713 : memref<40x128xi32, #tpu.memory_space<hbm>>) target(%arg6 : memref<40x128xi32, #tpu.memory_space<vmem>>) target_semaphore(%run_scoped3A : memref<!tpu.dma_semaphore, #tpu.memory_space<semaphore_mem>>)
      %dma_wait3A_714 = arith.constant 0 : i32
      %dma_wait3A_715 = tpu.memref_slice %arg2[%add3A_4, %dma_wait3A_714] : memref<5000x128xi32, #tpu.memory_space<hbm>> -> memref<40x128xi32, #tpu.memory_space<hbm>>
      %dma_wait3A_716 = arith.constant 0 : i32
      %dma_wait3A_717 = tpu.memref_slice %arg2[%add3A_4, %dma_wait3A_716] : memref<5000x128xi32, #tpu.memory_space<hbm>> -> memref<40x128xi32, #tpu.memory_space<hbm>>
      tpu.wait_dma2 semaphore(%run_scoped3A : memref<!tpu.dma_semaphore, #tpu.memory_space<semaphore_mem>>) src(%dma_wait3A_717 : memref<40x128xi32, #tpu.memory_space<hbm>>) dst(%arg6 : memref<40x128xi32, #tpu.memory_space<vmem>>)
      tpu.yield
    }) : () -> ()
    %add3A_650 = arith.constant 2500 : i32
    %add3A_651 = arith.addi %add3A_650, %add3A_4 : i32
    "tpu.region"() ({
      %run_scoped3A = tpu.sem_alloc : memref<!tpu.dma_semaphore, #tpu.memory_space<semaphore_mem>>
      %dma_start3A_710 = arith.constant 0 : i32
      %dma_start3A_711 = tpu.memref_slice %arg2[%add3A_651, %dma_start3A_710] : memref<5000x128xi32, #tpu.memory_space<hbm>> -> memref<40x128xi32, #tpu.memory_space<hbm>>
      %dma_start3A_712 = arith.constant 0 : i32
      %dma_start3A_713 = tpu.memref_slice %arg2[%add3A_651, %dma_start3A_712] : memref<5000x128xi32, #tpu.memory_space<hbm>> -> memref<40x128xi32, #tpu.memory_space<hbm>>
      tpu.enqueue_dma source(%dma_start3A_713 : memref<40x128xi32, #tpu.memory_space<hbm>>) target(%arg7 : memref<40x128xi32, #tpu.memory_space<vmem>>) target_semaphore(%run_scoped3A : memref<!tpu.dma_semaphore, #tpu.memory_space<semaphore_mem>>)
      %dma_wait3A_714 = arith.constant 0 : i32
      %dma_wait3A_715 = tpu.memref_slice %arg2[%add3A_651, %dma_wait3A_714] : memref<5000x128xi32, #tpu.memory_space<hbm>> -> memref<40x128xi32, #tpu.memory_space<hbm>>
      %dma_wait3A_716 = arith.constant 0 : i32
      %dma_wait3A_717 = tpu.memref_slice %arg2[%add3A_651, %dma_wait3A_716] : memref<5000x128xi32, #tpu.memory_space<hbm>> -> memref<40x128xi32, #tpu.memory_space<hbm>>
      tpu.wait_dma2 semaphore(%run_scoped3A : memref<!tpu.dma_semaphore, #tpu.memory_space<semaphore_mem>>) src(%dma_wait3A_717 : memref<40x128xi32, #tpu.memory_space<hbm>>) dst(%arg7 : memref<40x128xi32, #tpu.memory_space<vmem>>)
      tpu.yield
    }) : () -> ()
    %dma_start3A_652 = arith.constant 0 : i32
    %dma_start3A_653 = arith.constant 0 : i32
    %dma_start3A_654 = tpu.memref_slice %arg6[%dma_start3A_652, %dma_start3A_653] : memref<40x128xi32, #tpu.memory_space<vmem>> -> memref<1x128xi32, #tpu.memory_space<vmem>>
    %dma_start3A_655 = tpu.memref_squeeze %dma_start3A_654 : memref<1x128xi32, #tpu.memory_space<vmem>> -> memref<128xi32, #tpu.memory_space<vmem>>
    %dma_start3A_656 = arith.constant 0 : i32
    %dma_start3A_657 = arith.constant 0 : i32
    %dma_start3A_658 = tpu.memref_slice %arg3[%dma_start3A_656, %dma_start3A_657] : memref<10000x128xf32, #tpu.memory_space<hbm>> -> memref<10000x128xf32, #tpu.memory_space<hbm>>
    tpu.enqueue_indirect_dma source(%dma_start3A_658 : memref<10000x128xf32, #tpu.memory_space<hbm>>) target(%arg8 : memref<128x128xf32, #tpu.memory_space<vmem>>) offsets(%dma_start3A_655 : memref<128xi32, #tpu.memory_space<vmem>>) semaphore(%arg11 : memref<!tpu.dma_semaphore, #tpu.memory_space<semaphore_mem>>)
    %dma_start3A_659 = arith.constant 1 : i32
    %dma_start3A_660 = arith.constant 0 : i32
    %dma_start3A_661 = tpu.memref_slice %arg6[%dma_start3A_659, %dma_start3A_660] : memref<40x128xi32, #tpu.memory_space<vmem>> -> memref<1x128xi32, #tpu.memory_space<vmem>>
    %dma_start3A_662 = tpu.memref_squeeze %dma_start3A_661 : memref<1x128xi32, #tpu.memory_space<vmem>> -> memref<128xi32, #tpu.memory_space<vmem>>
    %dma_start3A_663 = arith.constant 0 : i32
    %dma_start3A_664 = arith.constant 0 : i32
    %dma_start3A_665 = tpu.memref_slice %arg3[%dma_start3A_663, %dma_start3A_664] : memref<10000x128xf32, #tpu.memory_space<hbm>> -> memref<10000x128xf32, #tpu.memory_space<hbm>>
    tpu.enqueue_indirect_dma source(%dma_start3A_665 : memref<10000x128xf32, #tpu.memory_space<hbm>>) target(%arg9 : memref<128x128xf32, #tpu.memory_space<vmem>>) offsets(%dma_start3A_662 : memref<128xi32, #tpu.memory_space<vmem>>) semaphore(%arg12 : memref<!tpu.dma_semaphore, #tpu.memory_space<semaphore_mem>>)
    %scan3A_666 = arith.constant 0 : i32
    %scan3A_667 = arith.constant 0 : i32
    %scan3A_668 = arith.constant 20 : i32
    %scan3A_669 = arith.addi %scan3A_667, %scan3A_668 : i32
    %scan3A_670 = arith.constant 1 : i32
    scf.for %scan3A_710 = %scan3A_667 to %scan3A_669 step %scan3A_670  : i32 {
      %mul3A_711 = arith.constant 2 : i32
      %mul3A_712 = arith.muli %mul3A_711, %scan3A_710 : i32
      %dma_wait3A_713 = arith.constant 0 : i32
      %dma_wait3A_714 = tpu.memref_slice %arg6[%mul3A_712, %dma_wait3A_713] : memref<40x128xi32, #tpu.memory_space<vmem>> -> memref<1x128xi32, #tpu.memory_space<vmem>>
      %dma_wait3A_715 = tpu.memref_squeeze %dma_wait3A_714 : memref<1x128xi32, #tpu.memory_space<vmem>> -> memref<128xi32, #tpu.memory_space<vmem>>
      %dma_wait3A_716 = arith.constant 0 : i32
      %dma_wait3A_717 = arith.constant 0 : i32
      %dma_wait3A_718 = tpu.memref_slice %arg3[%dma_wait3A_716, %dma_wait3A_717] : memref<10000x128xf32, #tpu.memory_space<hbm>> -> memref<10000x128xf32, #tpu.memory_space<hbm>>
      tpu.wait_indirect_dma semaphore(%arg11 : memref<!tpu.dma_semaphore, #tpu.memory_space<semaphore_mem>>) src(%dma_wait3A_718 : memref<10000x128xf32, #tpu.memory_space<hbm>>) dst(%arg8 : memref<128x128xf32, #tpu.memory_space<vmem>>)
      "tpu.region"() ({
        %run_scoped3A = tpu.sem_alloc : memref<!tpu.dma_semaphore, #tpu.memory_space<semaphore_mem>>
        %dma_start3A_741 = arith.constant 0 : i32
        %dma_start3A_742 = tpu.memref_slice %arg7[%mul3A_712, %dma_start3A_741] : memref<40x128xi32, #tpu.memory_space<vmem>> -> memref<1x128xi32, #tpu.memory_space<vmem>>
        %dma_start3A_743 = tpu.memref_squeeze %dma_start3A_742 : memref<1x128xi32, #tpu.memory_space<vmem>> -> memref<128xi32, #tpu.memory_space<vmem>>
        %dma_start3A_744 = arith.constant 0 : i32
        %dma_start3A_745 = arith.constant 0 : i32
        %dma_start3A_746 = tpu.memref_slice %arg5[%dma_start3A_744, %dma_start3A_745] : memref<10000x128xf32, #tpu.memory_space<vmem_shared>> -> memref<10000x128xf32, #tpu.memory_space<vmem_shared>>
        tpu.enqueue_indirect_dma source(%arg8 : memref<128x128xf32, #tpu.memory_space<vmem>>) target(%dma_start3A_746 : memref<10000x128xf32, #tpu.memory_space<vmem_shared>>) offsets(%dma_start3A_743 : memref<128xi32, #tpu.memory_space<vmem>>) semaphore(%run_scoped3A : memref<!tpu.dma_semaphore, #tpu.memory_space<semaphore_mem>>) {add = true}
        %dma_wait3A_747 = arith.constant 0 : i32
        %dma_wait3A_748 = tpu.memref_slice %arg7[%mul3A_712, %dma_wait3A_747] : memref<40x128xi32, #tpu.memory_space<vmem>> -> memref<1x128xi32, #tpu.memory_space<vmem>>
        %dma_wait3A_749 = tpu.memref_squeeze %dma_wait3A_748 : memref<1x128xi32, #tpu.memory_space<vmem>> -> memref<128xi32, #tpu.memory_space<vmem>>
        %dma_wait3A_750 = arith.constant 0 : i32
        %dma_wait3A_751 = arith.constant 0 : i32
        %dma_wait3A_752 = tpu.memref_slice %arg5[%dma_wait3A_750, %dma_wait3A_751] : memref<10000x128xf32, #tpu.memory_space<vmem_shared>> -> memref<10000x128xf32, #tpu.memory_space<vmem_shared>>
        tpu.wait_indirect_dma semaphore(%run_scoped3A : memref<!tpu.dma_semaphore, #tpu.memory_space<semaphore_mem>>) src(%arg8 : memref<128x128xf32, #tpu.memory_space<vmem>>) dst(%dma_wait3A_752 : memref<10000x128xf32, #tpu.memory_space<vmem_shared>>)
        tpu.yield
      }) : () -> ()
      %add3A_719 = arith.constant 2 : i32
      %add3A_720 = arith.addi %mul3A_712, %add3A_719 : i32
      %lt3A_721 = arith.constant 40 : i32
      %lt3A_722 = arith.cmpi slt, %add3A_720, %lt3A_721 : i32
      %convert_element_type3A_723 = arith.extui %lt3A_722 : i1 to i32
      %cond3A_724 = arith.constant 0 : i32
      %cond3A_725 = arith.cmpi ne, %convert_element_type3A_723, %cond3A_724 : i32
      scf.if %cond3A_725 {
        %add3A_741 = arith.constant 2 : i32
        %add3A_742 = arith.addi %mul3A_712, %add3A_741 : i32
        %dma_start3A_743 = arith.constant 0 : i32
        %dma_start3A_744 = tpu.memref_slice %arg6[%add3A_742, %dma_start3A_743] : memref<40x128xi32, #tpu.memory_space<vmem>> -> memref<1x128xi32, #tpu.memory_space<vmem>>
        %dma_start3A_745 = tpu.memref_squeeze %dma_start3A_744 : memref<1x128xi32, #tpu.memory_space<vmem>> -> memref<128xi32, #tpu.memory_space<vmem>>
        %dma_start3A_746 = arith.constant 0 : i32
        %dma_start3A_747 = arith.constant 0 : i32
        %dma_start3A_748 = tpu.memref_slice %arg3[%dma_start3A_746, %dma_start3A_747] : memref<10000x128xf32, #tpu.memory_space<hbm>> -> memref<10000x128xf32, #tpu.memory_space<hbm>>
        tpu.enqueue_indirect_dma source(%dma_start3A_748 : memref<10000x128xf32, #tpu.memory_space<hbm>>) target(%arg8 : memref<128x128xf32, #tpu.memory_space<vmem>>) offsets(%dma_start3A_745 : memref<128xi32, #tpu.memory_space<vmem>>) semaphore(%arg11 : memref<!tpu.dma_semaphore, #tpu.memory_space<semaphore_mem>>)
      } else {
      }
      %add3A_726 = arith.constant 1 : i32
      %add3A_727 = arith.addi %mul3A_712, %add3A_726 : i32
      %dma_wait3A_728 = arith.constant 0 : i32
      %dma_wait3A_729 = tpu.memref_slice %arg6[%add3A_727, %dma_wait3A_728] : memref<40x128xi32, #tpu.memory_space<vmem>> -> memref<1x128xi32, #tpu.memory_space<vmem>>
      %dma_wait3A_730 = tpu.memref_squeeze %dma_wait3A_729 : memref<1x128xi32, #tpu.memory_space<vmem>> -> memref<128xi32, #tpu.memory_space<vmem>>
      %dma_wait3A_731 = arith.constant 0 : i32
      %dma_wait3A_732 = arith.constant 0 : i32
      %dma_wait3A_733 = tpu.memref_slice %arg3[%dma_wait3A_731, %dma_wait3A_732] : memref<10000x128xf32, #tpu.memory_space<hbm>> -> memref<10000x128xf32, #tpu.memory_space<hbm>>
      tpu.wait_indirect_dma semaphore(%arg12 : memref<!tpu.dma_semaphore, #tpu.memory_space<semaphore_mem>>) src(%dma_wait3A_733 : memref<10000x128xf32, #tpu.memory_space<hbm>>) dst(%arg9 : memref<128x128xf32, #tpu.memory_space<vmem>>)
      "tpu.region"() ({
        %run_scoped3A = tpu.sem_alloc : memref<!tpu.dma_semaphore, #tpu.memory_space<semaphore_mem>>
        %dma_start3A_741 = arith.constant 0 : i32
        %dma_start3A_742 = tpu.memref_slice %arg7[%add3A_727, %dma_start3A_741] : memref<40x128xi32, #tpu.memory_space<vmem>> -> memref<1x128xi32, #tpu.memory_space<vmem>>
        %dma_start3A_743 = tpu.memref_squeeze %dma_start3A_742 : memref<1x128xi32, #tpu.memory_space<vmem>> -> memref<128xi32, #tpu.memory_space<vmem>>
        %dma_start3A_744 = arith.constant 0 : i32
        %dma_start3A_745 = arith.constant 0 : i32
        %dma_start3A_746 = tpu.memref_slice %arg5[%dma_start3A_744, %dma_start3A_745] : memref<10000x128xf32, #tpu.memory_space<vmem_shared>> -> memref<10000x128xf32, #tpu.memory_space<vmem_shared>>
        tpu.enqueue_indirect_dma source(%arg9 : memref<128x128xf32, #tpu.memory_space<vmem>>) target(%dma_start3A_746 : memref<10000x128xf32, #tpu.memory_space<vmem_shared>>) offsets(%dma_start3A_743 : memref<128xi32, #tpu.memory_space<vmem>>) semaphore(%run_scoped3A : memref<!tpu.dma_semaphore, #tpu.memory_space<semaphore_mem>>) {add = true}
        %dma_wait3A_747 = arith.constant 0 : i32
        %dma_wait3A_748 = tpu.memref_slice %arg7[%add3A_727, %dma_wait3A_747] : memref<40x128xi32, #tpu.memory_space<vmem>> -> memref<1x128xi32, #tpu.memory_space<vmem>>
        %dma_wait3A_749 = tpu.memref_squeeze %dma_wait3A_748 : memref<1x128xi32, #tpu.memory_space<vmem>> -> memref<128xi32, #tpu.memory_space<vmem>>
        %dma_wait3A_750 = arith.constant 0 : i32
        %dma_wait3A_751 = arith.constant 0 : i32
        %dma_wait3A_752 = tpu.memref_slice %arg5[%dma_wait3A_750, %dma_wait3A_751] : memref<10000x128xf32, #tpu.memory_space<vmem_shared>> -> memref<10000x128xf32, #tpu.memory_space<vmem_shared>>
        tpu.wait_indirect_dma semaphore(%run_scoped3A : memref<!tpu.dma_semaphore, #tpu.memory_space<semaphore_mem>>) src(%arg9 : memref<128x128xf32, #tpu.memory_space<vmem>>) dst(%dma_wait3A_752 : memref<10000x128xf32, #tpu.memory_space<vmem_shared>>)
        tpu.yield
      }) : () -> ()
      %add3A_734 = arith.constant 2 : i32
      %add3A_735 = arith.addi %add3A_727, %add3A_734 : i32
      %lt3A_736 = arith.constant 40 : i32
      %lt3A_737 = arith.cmpi slt, %add3A_735, %lt3A_736 : i32
      %convert_element_type3A_738 = arith.extui %lt3A_737 : i1 to i32
      %cond3A_739 = arith.constant 0 : i32
      %cond3A_740 = arith.cmpi ne, %convert_element_type3A_738, %cond3A_739 : i32
      scf.if %cond3A_740 {
        %add3A_741 = arith.constant 2 : i32
        %add3A_742 = arith.addi %add3A_727, %add3A_741 : i32
        %dma_start3A_743 = arith.constant 0 : i32
        %dma_start3A_744 = tpu.memref_slice %arg6[%add3A_742, %dma_start3A_743] : memref<40x128xi32, #tpu.memory_space<vmem>> -> memref<1x128xi32, #tpu.memory_space<vmem>>
        %dma_start3A_745 = tpu.memref_squeeze %dma_start3A_744 : memref<1x128xi32, #tpu.memory_space<vmem>> -> memref<128xi32, #tpu.memory_space<vmem>>
        %dma_start3A_746 = arith.constant 0 : i32
        %dma_start3A_747 = arith.constant 0 : i32
        %dma_start3A_748 = tpu.memref_slice %arg3[%dma_start3A_746, %dma_start3A_747] : memref<10000x128xf32, #tpu.memory_space<hbm>> -> memref<10000x128xf32, #tpu.memory_space<hbm>>
        tpu.enqueue_indirect_dma source(%dma_start3A_748 : memref<10000x128xf32, #tpu.memory_space<hbm>>) target(%arg9 : memref<128x128xf32, #tpu.memory_space<vmem>>) offsets(%dma_start3A_745 : memref<128xi32, #tpu.memory_space<vmem>>) semaphore(%arg12 : memref<!tpu.dma_semaphore, #tpu.memory_space<semaphore_mem>>)
      } else {
      }
    }
    %scan3A_671 = arith.constant 20 : i32
    %add3A_672 = arith.constant 40 : i32
    %add3A_673 = arith.addi %add3A_4, %add3A_672 : i32
    "tpu.region"() ({
      %run_scoped3A = tpu.sem_alloc : memref<!tpu.dma_semaphore, #tpu.memory_space<semaphore_mem>>
      %dma_start3A_710 = arith.constant 0 : i32
      %dma_start3A_711 = arith.constant 0 : i32
      %dma_start3A_712 = tpu.memref_slice %arg6[%dma_start3A_710, %dma_start3A_711] : memref<40x128xi32, #tpu.memory_space<vmem>> -> memref<38x128xi32, #tpu.memory_space<vmem>>
      %dma_start3A_713 = arith.constant 0 : i32
      %dma_start3A_714 = tpu.memref_slice %arg2[%add3A_673, %dma_start3A_713] : memref<5000x128xi32, #tpu.memory_space<hbm>> -> memref<38x128xi32, #tpu.memory_space<hbm>>
      %dma_start3A_715 = arith.constant 0 : i32
      %dma_start3A_716 = arith.constant 0 : i32
      %dma_start3A_717 = tpu.memref_slice %arg6[%dma_start3A_715, %dma_start3A_716] : memref<40x128xi32, #tpu.memory_space<vmem>> -> memref<38x128xi32, #tpu.memory_space<vmem>>
      %dma_start3A_718 = arith.constant 0 : i32
      %dma_start3A_719 = tpu.memref_slice %arg2[%add3A_673, %dma_start3A_718] : memref<5000x128xi32, #tpu.memory_space<hbm>> -> memref<38x128xi32, #tpu.memory_space<hbm>>
      tpu.enqueue_dma source(%dma_start3A_719 : memref<38x128xi32, #tpu.memory_space<hbm>>) target(%dma_start3A_717 : memref<38x128xi32, #tpu.memory_space<vmem>>) target_semaphore(%run_scoped3A : memref<!tpu.dma_semaphore, #tpu.memory_space<semaphore_mem>>)
      %dma_wait3A_720 = arith.constant 0 : i32
      %dma_wait3A_721 = arith.constant 0 : i32
      %dma_wait3A_722 = tpu.memref_slice %arg6[%dma_wait3A_720, %dma_wait3A_721] : memref<40x128xi32, #tpu.memory_space<vmem>> -> memref<38x128xi32, #tpu.memory_space<vmem>>
      %dma_wait3A_723 = arith.constant 0 : i32
      %dma_wait3A_724 = tpu.memref_slice %arg2[%add3A_673, %dma_wait3A_723] : memref<5000x128xi32, #tpu.memory_space<hbm>> -> memref<38x128xi32, #tpu.memory_space<hbm>>
      %dma_wait3A_725 = arith.constant 0 : i32
      %dma_wait3A_726 = arith.constant 0 : i32
      %dma_wait3A_727 = tpu.memref_slice %arg6[%dma_wait3A_725, %dma_wait3A_726] : memref<40x128xi32, #tpu.memory_space<vmem>> -> memref<38x128xi32, #tpu.memory_space<vmem>>
      %dma_wait3A_728 = arith.constant 0 : i32
      %dma_wait3A_729 = tpu.memref_slice %arg2[%add3A_673, %dma_wait3A_728] : memref<5000x128xi32, #tpu.memory_space<hbm>> -> memref<38x128xi32, #tpu.memory_space<hbm>>
      tpu.wait_dma2 semaphore(%run_scoped3A : memref<!tpu.dma_semaphore, #tpu.memory_space<semaphore_mem>>) src(%dma_wait3A_729 : memref<38x128xi32, #tpu.memory_space<hbm>>) dst(%dma_wait3A_727 : memref<38x128xi32, #tpu.memory_space<vmem>>)
      tpu.yield
    }) : () -> ()
    %add3A_674 = arith.constant 2500 : i32
    %add3A_675 = arith.addi %add3A_674, %add3A_673 : i32
    "tpu.region"() ({
      %run_scoped3A = tpu.sem_alloc : memref<!tpu.dma_semaphore, #tpu.memory_space<semaphore_mem>>
      %dma_start3A_710 = arith.constant 0 : i32
      %dma_start3A_711 = arith.constant 0 : i32
      %dma_start3A_712 = tpu.memref_slice %arg7[%dma_start3A_710, %dma_start3A_711] : memref<40x128xi32, #tpu.memory_space<vmem>> -> memref<38x128xi32, #tpu.memory_space<vmem>>
      %dma_start3A_713 = arith.constant 0 : i32
      %dma_start3A_714 = tpu.memref_slice %arg2[%add3A_675, %dma_start3A_713] : memref<5000x128xi32, #tpu.memory_space<hbm>> -> memref<38x128xi32, #tpu.memory_space<hbm>>
      %dma_start3A_715 = arith.constant 0 : i32
      %dma_start3A_716 = arith.constant 0 : i32
      %dma_start3A_717 = tpu.memref_slice %arg7[%dma_start3A_715, %dma_start3A_716] : memref<40x128xi32, #tpu.memory_space<vmem>> -> memref<38x128xi32, #tpu.memory_space<vmem>>
      %dma_start3A_718 = arith.constant 0 : i32
      %dma_start3A_719 = tpu.memref_slice %arg2[%add3A_675, %dma_start3A_718] : memref<5000x128xi32, #tpu.memory_space<hbm>> -> memref<38x128xi32, #tpu.memory_space<hbm>>
      tpu.enqueue_dma source(%dma_start3A_719 : memref<38x128xi32, #tpu.memory_space<hbm>>) target(%dma_start3A_717 : memref<38x128xi32, #tpu.memory_space<vmem>>) target_semaphore(%run_scoped3A : memref<!tpu.dma_semaphore, #tpu.memory_space<semaphore_mem>>)
      %dma_wait3A_720 = arith.constant 0 : i32
      %dma_wait3A_721 = arith.constant 0 : i32
      %dma_wait3A_722 = tpu.memref_slice %arg7[%dma_wait3A_720, %dma_wait3A_721] : memref<40x128xi32, #tpu.memory_space<vmem>> -> memref<38x128xi32, #tpu.memory_space<vmem>>
      %dma_wait3A_723 = arith.constant 0 : i32
      %dma_wait3A_724 = tpu.memref_slice %arg2[%add3A_675, %dma_wait3A_723] : memref<5000x128xi32, #tpu.memory_space<hbm>> -> memref<38x128xi32, #tpu.memory_space<hbm>>
      %dma_wait3A_725 = arith.constant 0 : i32
      %dma_wait3A_726 = arith.constant 0 : i32
      %dma_wait3A_727 = tpu.memref_slice %arg7[%dma_wait3A_725, %dma_wait3A_726] : memref<40x128xi32, #tpu.memory_space<vmem>> -> memref<38x128xi32, #tpu.memory_space<vmem>>
      %dma_wait3A_728 = arith.constant 0 : i32
      %dma_wait3A_729 = tpu.memref_slice %arg2[%add3A_675, %dma_wait3A_728] : memref<5000x128xi32, #tpu.memory_space<hbm>> -> memref<38x128xi32, #tpu.memory_space<hbm>>
      tpu.wait_dma2 semaphore(%run_scoped3A : memref<!tpu.dma_semaphore, #tpu.memory_space<semaphore_mem>>) src(%dma_wait3A_729 : memref<38x128xi32, #tpu.memory_space<hbm>>) dst(%dma_wait3A_727 : memref<38x128xi32, #tpu.memory_space<vmem>>)
      tpu.yield
    }) : () -> ()
    %convert_element_type3A = arith.extui %lt3A_5 : i1 to i32
    %cond3A = arith.constant 0 : i32
    %cond3A_676 = arith.cmpi ne, %convert_element_type3A, %cond3A : i32
    scf.if %cond3A_676 {
      %add3A_710 = arith.constant 38 : i32
      %add3A_711 = arith.addi %add3A_673, %add3A_710 : i32
      "tpu.region"() ({
        %run_scoped3A = tpu.sem_alloc : memref<!tpu.dma_semaphore, #tpu.memory_space<semaphore_mem>>
        %dma_start3A_716 = arith.constant 38 : i32
        %dma_start3A_717 = arith.constant 0 : i32
        %dma_start3A_718 = tpu.memref_slice %arg6[%dma_start3A_716, %dma_start3A_717] : memref<40x128xi32, #tpu.memory_space<vmem>> -> memref<1x128xi32, #tpu.memory_space<vmem>>
        %dma_start3A_719 = arith.constant 0 : i32
        %dma_start3A_720 = tpu.memref_slice %arg2[%add3A_711, %dma_start3A_719] : memref<5000x128xi32, #tpu.memory_space<hbm>> -> memref<1x128xi32, #tpu.memory_space<hbm>>
        %dma_start3A_721 = arith.constant 38 : i32
        %dma_start3A_722 = arith.constant 0 : i32
        %dma_start3A_723 = tpu.memref_slice %arg6[%dma_start3A_721, %dma_start3A_722] : memref<40x128xi32, #tpu.memory_space<vmem>> -> memref<1x128xi32, #tpu.memory_space<vmem>>
        %dma_start3A_724 = arith.constant 0 : i32
        %dma_start3A_725 = tpu.memref_slice %arg2[%add3A_711, %dma_start3A_724] : memref<5000x128xi32, #tpu.memory_space<hbm>> -> memref<1x128xi32, #tpu.memory_space<hbm>>
        tpu.enqueue_dma source(%dma_start3A_725 : memref<1x128xi32, #tpu.memory_space<hbm>>) target(%dma_start3A_723 : memref<1x128xi32, #tpu.memory_space<vmem>>) target_semaphore(%run_scoped3A : memref<!tpu.dma_semaphore, #tpu.memory_space<semaphore_mem>>)
        %dma_wait3A_726 = arith.constant 38 : i32
        %dma_wait3A_727 = arith.constant 0 : i32
        %dma_wait3A_728 = tpu.memref_slice %arg6[%dma_wait3A_726, %dma_wait3A_727] : memref<40x128xi32, #tpu.memory_space<vmem>> -> memref<1x128xi32, #tpu.memory_space<vmem>>
        %dma_wait3A_729 = arith.constant 0 : i32
        %dma_wait3A_730 = tpu.memref_slice %arg2[%add3A_711, %dma_wait3A_729] : memref<5000x128xi32, #tpu.memory_space<hbm>> -> memref<1x128xi32, #tpu.memory_space<hbm>>
        %dma_wait3A_731 = arith.constant 38 : i32
        %dma_wait3A_732 = arith.constant 0 : i32
        %dma_wait3A_733 = tpu.memref_slice %arg6[%dma_wait3A_731, %dma_wait3A_732] : memref<40x128xi32, #tpu.memory_space<vmem>> -> memref<1x128xi32, #tpu.memory_space<vmem>>
        %dma_wait3A_734 = arith.constant 0 : i32
        %dma_wait3A_735 = tpu.memref_slice %arg2[%add3A_711, %dma_wait3A_734] : memref<5000x128xi32, #tpu.memory_space<hbm>> -> memref<1x128xi32, #tpu.memory_space<hbm>>
        tpu.wait_dma2 semaphore(%run_scoped3A : memref<!tpu.dma_semaphore, #tpu.memory_space<semaphore_mem>>) src(%dma_wait3A_735 : memref<1x128xi32, #tpu.memory_space<hbm>>) dst(%dma_wait3A_733 : memref<1x128xi32, #tpu.memory_space<vmem>>)
        tpu.yield
      }) : () -> ()
      %add3A_712 = arith.constant 2500 : i32
      %add3A_713 = arith.addi %add3A_712, %add3A_673 : i32
      %add3A_714 = arith.constant 38 : i32
      %add3A_715 = arith.addi %add3A_713, %add3A_714 : i32
      "tpu.region"() ({
        %run_scoped3A = tpu.sem_alloc : memref<!tpu.dma_semaphore, #tpu.memory_space<semaphore_mem>>
        %dma_start3A_716 = arith.constant 38 : i32
        %dma_start3A_717 = arith.constant 0 : i32
        %dma_start3A_718 = tpu.memref_slice %arg7[%dma_start3A_716, %dma_start3A_717] : memref<40x128xi32, #tpu.memory_space<vmem>> -> memref<1x128xi32, #tpu.memory_space<vmem>>
        %dma_start3A_719 = arith.constant 0 : i32
        %dma_start3A_720 = tpu.memref_slice %arg2[%add3A_715, %dma_start3A_719] : memref<5000x128xi32, #tpu.memory_space<hbm>> -> memref<1x128xi32, #tpu.memory_space<hbm>>
        %dma_start3A_721 = arith.constant 38 : i32
        %dma_start3A_722 = arith.constant 0 : i32
        %dma_start3A_723 = tpu.memref_slice %arg7[%dma_start3A_721, %dma_start3A_722] : memref<40x128xi32, #tpu.memory_space<vmem>> -> memref<1x128xi32, #tpu.memory_space<vmem>>
        %dma_start3A_724 = arith.constant 0 : i32
        %dma_start3A_725 = tpu.memref_slice %arg2[%add3A_715, %dma_start3A_724] : memref<5000x128xi32, #tpu.memory_space<hbm>> -> memref<1x128xi32, #tpu.memory_space<hbm>>
        tpu.enqueue_dma source(%dma_start3A_725 : memref<1x128xi32, #tpu.memory_space<hbm>>) target(%dma_start3A_723 : memref<1x128xi32, #tpu.memory_space<vmem>>) target_semaphore(%run_scoped3A : memref<!tpu.dma_semaphore, #tpu.memory_space<semaphore_mem>>)
        %dma_wait3A_726 = arith.constant 38 : i32
        %dma_wait3A_727 = arith.constant 0 : i32
        %dma_wait3A_728 = tpu.memref_slice %arg7[%dma_wait3A_726, %dma_wait3A_727] : memref<40x128xi32, #tpu.memory_space<vmem>> -> memref<1x128xi32, #tpu.memory_space<vmem>>
        %dma_wait3A_729 = arith.constant 0 : i32
        %dma_wait3A_730 = tpu.memref_slice %arg2[%add3A_715, %dma_wait3A_729] : memref<5000x128xi32, #tpu.memory_space<hbm>> -> memref<1x128xi32, #tpu.memory_space<hbm>>
        %dma_wait3A_731 = arith.constant 38 : i32
        %dma_wait3A_732 = arith.constant 0 : i32
        %dma_wait3A_733 = tpu.memref_slice %arg7[%dma_wait3A_731, %dma_wait3A_732] : memref<40x128xi32, #tpu.memory_space<vmem>> -> memref<1x128xi32, #tpu.memory_space<vmem>>
        %dma_wait3A_734 = arith.constant 0 : i32
        %dma_wait3A_735 = tpu.memref_slice %arg2[%add3A_715, %dma_wait3A_734] : memref<5000x128xi32, #tpu.memory_space<hbm>> -> memref<1x128xi32, #tpu.memory_space<hbm>>
        tpu.wait_dma2 semaphore(%run_scoped3A : memref<!tpu.dma_semaphore, #tpu.memory_space<semaphore_mem>>) src(%dma_wait3A_735 : memref<1x128xi32, #tpu.memory_space<hbm>>) dst(%dma_wait3A_733 : memref<1x128xi32, #tpu.memory_space<vmem>>)
        tpu.yield
      }) : () -> ()
    } else {
    }
    %jit3A = arith.constant 39 : i32
    %jit3A_677 = arith.constant 38 : i32
    %select_n3A = arith.select %lt3A_5, %jit3A, %jit3A_677 : i32
    %dma_start3A_678 = arith.constant 0 : i32
    %dma_start3A_679 = arith.constant 0 : i32
    %dma_start3A_680 = tpu.memref_slice %arg6[%dma_start3A_678, %dma_start3A_679] : memref<40x128xi32, #tpu.memory_space<vmem>> -> memref<1x128xi32, #tpu.memory_space<vmem>>
    %dma_start3A_681 = tpu.memref_squeeze %dma_start3A_680 : memref<1x128xi32, #tpu.memory_space<vmem>> -> memref<128xi32, #tpu.memory_space<vmem>>
    %dma_start3A_682 = arith.constant 0 : i32
    %dma_start3A_683 = arith.constant 0 : i32
    %dma_start3A_684 = tpu.memref_slice %arg3[%dma_start3A_682, %dma_start3A_683] : memref<10000x128xf32, #tpu.memory_space<hbm>> -> memref<10000x128xf32, #tpu.memory_space<hbm>>
    tpu.enqueue_indirect_dma source(%dma_start3A_684 : memref<10000x128xf32, #tpu.memory_space<hbm>>) target(%arg8 : memref<128x128xf32, #tpu.memory_space<vmem>>) offsets(%dma_start3A_681 : memref<128xi32, #tpu.memory_space<vmem>>) semaphore(%arg11 : memref<!tpu.dma_semaphore, #tpu.memory_space<semaphore_mem>>)
    %dma_start3A_685 = arith.constant 1 : i32
    %dma_start3A_686 = arith.constant 0 : i32
    %dma_start3A_687 = tpu.memref_slice %arg6[%dma_start3A_685, %dma_start3A_686] : memref<40x128xi32, #tpu.memory_space<vmem>> -> memref<1x128xi32, #tpu.memory_space<vmem>>
    %dma_start3A_688 = tpu.memref_squeeze %dma_start3A_687 : memref<1x128xi32, #tpu.memory_space<vmem>> -> memref<128xi32, #tpu.memory_space<vmem>>
    %dma_start3A_689 = arith.constant 0 : i32
    %dma_start3A_690 = arith.constant 0 : i32
    %dma_start3A_691 = tpu.memref_slice %arg3[%dma_start3A_689, %dma_start3A_690] : memref<10000x128xf32, #tpu.memory_space<hbm>> -> memref<10000x128xf32, #tpu.memory_space<hbm>>
    tpu.enqueue_indirect_dma source(%dma_start3A_691 : memref<10000x128xf32, #tpu.memory_space<hbm>>) target(%arg9 : memref<128x128xf32, #tpu.memory_space<vmem>>) offsets(%dma_start3A_688 : memref<128xi32, #tpu.memory_space<vmem>>) semaphore(%arg12 : memref<!tpu.dma_semaphore, #tpu.memory_space<semaphore_mem>>)
    %scan3A_692 = arith.constant 0 : i32
    %scan3A_693 = arith.constant 0 : i32
    %scan3A_694 = arith.constant 19 : i32
    %scan3A_695 = arith.addi %scan3A_693, %scan3A_694 : i32
    %scan3A_696 = arith.constant 1 : i32
    scf.for %scan3A_710 = %scan3A_693 to %scan3A_695 step %scan3A_696  : i32 {
      %mul3A_711 = arith.constant 2 : i32
      %mul3A_712 = arith.muli %mul3A_711, %scan3A_710 : i32
      %dma_wait3A_713 = arith.constant 0 : i32
      %dma_wait3A_714 = tpu.memref_slice %arg6[%mul3A_712, %dma_wait3A_713] : memref<40x128xi32, #tpu.memory_space<vmem>> -> memref<1x128xi32, #tpu.memory_space<vmem>>
      %dma_wait3A_715 = tpu.memref_squeeze %dma_wait3A_714 : memref<1x128xi32, #tpu.memory_space<vmem>> -> memref<128xi32, #tpu.memory_space<vmem>>
      %dma_wait3A_716 = arith.constant 0 : i32
      %dma_wait3A_717 = arith.constant 0 : i32
      %dma_wait3A_718 = tpu.memref_slice %arg3[%dma_wait3A_716, %dma_wait3A_717] : memref<10000x128xf32, #tpu.memory_space<hbm>> -> memref<10000x128xf32, #tpu.memory_space<hbm>>
      tpu.wait_indirect_dma semaphore(%arg11 : memref<!tpu.dma_semaphore, #tpu.memory_space<semaphore_mem>>) src(%dma_wait3A_718 : memref<10000x128xf32, #tpu.memory_space<hbm>>) dst(%arg8 : memref<128x128xf32, #tpu.memory_space<vmem>>)
      "tpu.region"() ({
        %run_scoped3A = tpu.sem_alloc : memref<!tpu.dma_semaphore, #tpu.memory_space<semaphore_mem>>
        %dma_start3A_739 = arith.constant 0 : i32
        %dma_start3A_740 = tpu.memref_slice %arg7[%mul3A_712, %dma_start3A_739] : memref<40x128xi32, #tpu.memory_space<vmem>> -> memref<1x128xi32, #tpu.memory_space<vmem>>
        %dma_start3A_741 = tpu.memref_squeeze %dma_start3A_740 : memref<1x128xi32, #tpu.memory_space<vmem>> -> memref<128xi32, #tpu.memory_space<vmem>>
        %dma_start3A_742 = arith.constant 0 : i32
        %dma_start3A_743 = arith.constant 0 : i32
        %dma_start3A_744 = tpu.memref_slice %arg5[%dma_start3A_742, %dma_start3A_743] : memref<10000x128xf32, #tpu.memory_space<vmem_shared>> -> memref<10000x128xf32, #tpu.memory_space<vmem_shared>>
        tpu.enqueue_indirect_dma source(%arg8 : memref<128x128xf32, #tpu.memory_space<vmem>>) target(%dma_start3A_744 : memref<10000x128xf32, #tpu.memory_space<vmem_shared>>) offsets(%dma_start3A_741 : memref<128xi32, #tpu.memory_space<vmem>>) semaphore(%run_scoped3A : memref<!tpu.dma_semaphore, #tpu.memory_space<semaphore_mem>>) {add = true}
        %dma_wait3A_745 = arith.constant 0 : i32
        %dma_wait3A_746 = tpu.memref_slice %arg7[%mul3A_712, %dma_wait3A_745] : memref<40x128xi32, #tpu.memory_space<vmem>> -> memref<1x128xi32, #tpu.memory_space<vmem>>
        %dma_wait3A_747 = tpu.memref_squeeze %dma_wait3A_746 : memref<1x128xi32, #tpu.memory_space<vmem>> -> memref<128xi32, #tpu.memory_space<vmem>>
        %dma_wait3A_748 = arith.constant 0 : i32
        %dma_wait3A_749 = arith.constant 0 : i32
        %dma_wait3A_750 = tpu.memref_slice %arg5[%dma_wait3A_748, %dma_wait3A_749] : memref<10000x128xf32, #tpu.memory_space<vmem_shared>> -> memref<10000x128xf32, #tpu.memory_space<vmem_shared>>
        tpu.wait_indirect_dma semaphore(%run_scoped3A : memref<!tpu.dma_semaphore, #tpu.memory_space<semaphore_mem>>) src(%arg8 : memref<128x128xf32, #tpu.memory_space<vmem>>) dst(%dma_wait3A_750 : memref<10000x128xf32, #tpu.memory_space<vmem_shared>>)
        tpu.yield
      }) : () -> ()
      %add3A_719 = arith.constant 2 : i32
      %add3A_720 = arith.addi %mul3A_712, %add3A_719 : i32
      %lt3A_721 = arith.cmpi slt, %add3A_720, %select_n3A : i32
      %convert_element_type3A_722 = arith.extui %lt3A_721 : i1 to i32
      %cond3A_723 = arith.constant 0 : i32
      %cond3A_724 = arith.cmpi ne, %convert_element_type3A_722, %cond3A_723 : i32
      scf.if %cond3A_724 {
        %add3A_739 = arith.constant 2 : i32
        %add3A_740 = arith.addi %mul3A_712, %add3A_739 : i32
        %dma_start3A_741 = arith.constant 0 : i32
        %dma_start3A_742 = tpu.memref_slice %arg6[%add3A_740, %dma_start3A_741] : memref<40x128xi32, #tpu.memory_space<vmem>> -> memref<1x128xi32, #tpu.memory_space<vmem>>
        %dma_start3A_743 = tpu.memref_squeeze %dma_start3A_742 : memref<1x128xi32, #tpu.memory_space<vmem>> -> memref<128xi32, #tpu.memory_space<vmem>>
        %dma_start3A_744 = arith.constant 0 : i32
        %dma_start3A_745 = arith.constant 0 : i32
        %dma_start3A_746 = tpu.memref_slice %arg3[%dma_start3A_744, %dma_start3A_745] : memref<10000x128xf32, #tpu.memory_space<hbm>> -> memref<10000x128xf32, #tpu.memory_space<hbm>>
        tpu.enqueue_indirect_dma source(%dma_start3A_746 : memref<10000x128xf32, #tpu.memory_space<hbm>>) target(%arg8 : memref<128x128xf32, #tpu.memory_space<vmem>>) offsets(%dma_start3A_743 : memref<128xi32, #tpu.memory_space<vmem>>) semaphore(%arg11 : memref<!tpu.dma_semaphore, #tpu.memory_space<semaphore_mem>>)
      } else {
      }
      %add3A_725 = arith.constant 1 : i32
      %add3A_726 = arith.addi %mul3A_712, %add3A_725 : i32
      %dma_wait3A_727 = arith.constant 0 : i32
      %dma_wait3A_728 = tpu.memref_slice %arg6[%add3A_726, %dma_wait3A_727] : memref<40x128xi32, #tpu.memory_space<vmem>> -> memref<1x128xi32, #tpu.memory_space<vmem>>
      %dma_wait3A_729 = tpu.memref_squeeze %dma_wait3A_728 : memref<1x128xi32, #tpu.memory_space<vmem>> -> memref<128xi32, #tpu.memory_space<vmem>>
      %dma_wait3A_730 = arith.constant 0 : i32
      %dma_wait3A_731 = arith.constant 0 : i32
      %dma_wait3A_732 = tpu.memref_slice %arg3[%dma_wait3A_730, %dma_wait3A_731] : memref<10000x128xf32, #tpu.memory_space<hbm>> -> memref<10000x128xf32, #tpu.memory_space<hbm>>
      tpu.wait_indirect_dma semaphore(%arg12 : memref<!tpu.dma_semaphore, #tpu.memory_space<semaphore_mem>>) src(%dma_wait3A_732 : memref<10000x128xf32, #tpu.memory_space<hbm>>) dst(%arg9 : memref<128x128xf32, #tpu.memory_space<vmem>>)
      "tpu.region"() ({
        %run_scoped3A = tpu.sem_alloc : memref<!tpu.dma_semaphore, #tpu.memory_space<semaphore_mem>>
        %dma_start3A_739 = arith.constant 0 : i32
        %dma_start3A_740 = tpu.memref_slice %arg7[%add3A_726, %dma_start3A_739] : memref<40x128xi32, #tpu.memory_space<vmem>> -> memref<1x128xi32, #tpu.memory_space<vmem>>
        %dma_start3A_741 = tpu.memref_squeeze %dma_start3A_740 : memref<1x128xi32, #tpu.memory_space<vmem>> -> memref<128xi32, #tpu.memory_space<vmem>>
        %dma_start3A_742 = arith.constant 0 : i32
        %dma_start3A_743 = arith.constant 0 : i32
        %dma_start3A_744 = tpu.memref_slice %arg5[%dma_start3A_742, %dma_start3A_743] : memref<10000x128xf32, #tpu.memory_space<vmem_shared>> -> memref<10000x128xf32, #tpu.memory_space<vmem_shared>>
        tpu.enqueue_indirect_dma source(%arg9 : memref<128x128xf32, #tpu.memory_space<vmem>>) target(%dma_start3A_744 : memref<10000x128xf32, #tpu.memory_space<vmem_shared>>) offsets(%dma_start3A_741 : memref<128xi32, #tpu.memory_space<vmem>>) semaphore(%run_scoped3A : memref<!tpu.dma_semaphore, #tpu.memory_space<semaphore_mem>>) {add = true}
        %dma_wait3A_745 = arith.constant 0 : i32
        %dma_wait3A_746 = tpu.memref_slice %arg7[%add3A_726, %dma_wait3A_745] : memref<40x128xi32, #tpu.memory_space<vmem>> -> memref<1x128xi32, #tpu.memory_space<vmem>>
        %dma_wait3A_747 = tpu.memref_squeeze %dma_wait3A_746 : memref<1x128xi32, #tpu.memory_space<vmem>> -> memref<128xi32, #tpu.memory_space<vmem>>
        %dma_wait3A_748 = arith.constant 0 : i32
        %dma_wait3A_749 = arith.constant 0 : i32
        %dma_wait3A_750 = tpu.memref_slice %arg5[%dma_wait3A_748, %dma_wait3A_749] : memref<10000x128xf32, #tpu.memory_space<vmem_shared>> -> memref<10000x128xf32, #tpu.memory_space<vmem_shared>>
        tpu.wait_indirect_dma semaphore(%run_scoped3A : memref<!tpu.dma_semaphore, #tpu.memory_space<semaphore_mem>>) src(%arg9 : memref<128x128xf32, #tpu.memory_space<vmem>>) dst(%dma_wait3A_750 : memref<10000x128xf32, #tpu.memory_space<vmem_shared>>)
        tpu.yield
      }) : () -> ()
      %add3A_733 = arith.constant 2 : i32
      %add3A_734 = arith.addi %add3A_726, %add3A_733 : i32
      %lt3A_735 = arith.cmpi slt, %add3A_734, %select_n3A : i32
      %convert_element_type3A_736 = arith.extui %lt3A_735 : i1 to i32
      %cond3A_737 = arith.constant 0 : i32
      %cond3A_738 = arith.cmpi ne, %convert_element_type3A_736, %cond3A_737 : i32
      scf.if %cond3A_738 {
        %add3A_739 = arith.constant 2 : i32
        %add3A_740 = arith.addi %add3A_726, %add3A_739 : i32
        %dma_start3A_741 = arith.constant 0 : i32
        %dma_start3A_742 = tpu.memref_slice %arg6[%add3A_740, %dma_start3A_741] : memref<40x128xi32, #tpu.memory_space<vmem>> -> memref<1x128xi32, #tpu.memory_space<vmem>>
        %dma_start3A_743 = tpu.memref_squeeze %dma_start3A_742 : memref<1x128xi32, #tpu.memory_space<vmem>> -> memref<128xi32, #tpu.memory_space<vmem>>
        %dma_start3A_744 = arith.constant 0 : i32
        %dma_start3A_745 = arith.constant 0 : i32
        %dma_start3A_746 = tpu.memref_slice %arg3[%dma_start3A_744, %dma_start3A_745] : memref<10000x128xf32, #tpu.memory_space<hbm>> -> memref<10000x128xf32, #tpu.memory_space<hbm>>
        tpu.enqueue_indirect_dma source(%dma_start3A_746 : memref<10000x128xf32, #tpu.memory_space<hbm>>) target(%arg9 : memref<128x128xf32, #tpu.memory_space<vmem>>) offsets(%dma_start3A_743 : memref<128xi32, #tpu.memory_space<vmem>>) semaphore(%arg12 : memref<!tpu.dma_semaphore, #tpu.memory_space<semaphore_mem>>)
      } else {
      }
    }
    %scan3A_697 = arith.constant 19 : i32
    %convert_element_type3A_698 = arith.extui %lt3A_5 : i1 to i32
    %cond3A_699 = arith.constant 0 : i32
    %cond3A_700 = arith.cmpi ne, %convert_element_type3A_698, %cond3A_699 : i32
    scf.if %cond3A_700 {
      %dma_wait3A_710 = arith.constant 38 : i32
      %dma_wait3A_711 = arith.constant 0 : i32
      %dma_wait3A_712 = tpu.memref_slice %arg6[%dma_wait3A_710, %dma_wait3A_711] : memref<40x128xi32, #tpu.memory_space<vmem>> -> memref<1x128xi32, #tpu.memory_space<vmem>>
      %dma_wait3A_713 = tpu.memref_squeeze %dma_wait3A_712 : memref<1x128xi32, #tpu.memory_space<vmem>> -> memref<128xi32, #tpu.memory_space<vmem>>
      %dma_wait3A_714 = arith.constant 0 : i32
      %dma_wait3A_715 = arith.constant 0 : i32
      %dma_wait3A_716 = tpu.memref_slice %arg3[%dma_wait3A_714, %dma_wait3A_715] : memref<10000x128xf32, #tpu.memory_space<hbm>> -> memref<10000x128xf32, #tpu.memory_space<hbm>>
      tpu.wait_indirect_dma semaphore(%arg11 : memref<!tpu.dma_semaphore, #tpu.memory_space<semaphore_mem>>) src(%dma_wait3A_716 : memref<10000x128xf32, #tpu.memory_space<hbm>>) dst(%arg8 : memref<128x128xf32, #tpu.memory_space<vmem>>)
      %run_scoped3A = arith.constant 38 : i32
      "tpu.region"() ({
        %run_scoped3A_717 = tpu.sem_alloc : memref<!tpu.dma_semaphore, #tpu.memory_space<semaphore_mem>>
        %dma_start3A_718 = arith.constant 0 : i32
        %dma_start3A_719 = tpu.memref_slice %arg7[%run_scoped3A, %dma_start3A_718] : memref<40x128xi32, #tpu.memory_space<vmem>> -> memref<1x128xi32, #tpu.memory_space<vmem>>
        %dma_start3A_720 = tpu.memref_squeeze %dma_start3A_719 : memref<1x128xi32, #tpu.memory_space<vmem>> -> memref<128xi32, #tpu.memory_space<vmem>>
        %dma_start3A_721 = arith.constant 0 : i32
        %dma_start3A_722 = arith.constant 0 : i32
        %dma_start3A_723 = tpu.memref_slice %arg5[%dma_start3A_721, %dma_start3A_722] : memref<10000x128xf32, #tpu.memory_space<vmem_shared>> -> memref<10000x128xf32, #tpu.memory_space<vmem_shared>>
        tpu.enqueue_indirect_dma source(%arg8 : memref<128x128xf32, #tpu.memory_space<vmem>>) target(%dma_start3A_723 : memref<10000x128xf32, #tpu.memory_space<vmem_shared>>) offsets(%dma_start3A_720 : memref<128xi32, #tpu.memory_space<vmem>>) semaphore(%run_scoped3A_717 : memref<!tpu.dma_semaphore, #tpu.memory_space<semaphore_mem>>) {add = true}
        %dma_wait3A_724 = arith.constant 0 : i32
        %dma_wait3A_725 = tpu.memref_slice %arg7[%run_scoped3A, %dma_wait3A_724] : memref<40x128xi32, #tpu.memory_space<vmem>> -> memref<1x128xi32, #tpu.memory_space<vmem>>
        %dma_wait3A_726 = tpu.memref_squeeze %dma_wait3A_725 : memref<1x128xi32, #tpu.memory_space<vmem>> -> memref<128xi32, #tpu.memory_space<vmem>>
        %dma_wait3A_727 = arith.constant 0 : i32
        %dma_wait3A_728 = arith.constant 0 : i32
        %dma_wait3A_729 = tpu.memref_slice %arg5[%dma_wait3A_727, %dma_wait3A_728] : memref<10000x128xf32, #tpu.memory_space<vmem_shared>> -> memref<10000x128xf32, #tpu.memory_space<vmem_shared>>
        tpu.wait_indirect_dma semaphore(%run_scoped3A_717 : memref<!tpu.dma_semaphore, #tpu.memory_space<semaphore_mem>>) src(%arg8 : memref<128x128xf32, #tpu.memory_space<vmem>>) dst(%dma_wait3A_729 : memref<10000x128xf32, #tpu.memory_space<vmem_shared>>)
        tpu.yield
      }) : () -> ()
    } else {
    }
    %barrier3A_701 = arith.constant 0 : index
    tpu.barrier barrier_id(%barrier3A_701)
    %mul3A_702 = arith.constant 624 : i32
    %mul3A_703 = arith.muli %arg1, %mul3A_702 : i32
    %mul3A_704 = arith.constant 624 : i32
    %mul3A_705 = arith.muli %arg1, %mul3A_704 : i32
    "tpu.region"() ({
      %run_scoped3A = tpu.sem_alloc : memref<!tpu.dma_semaphore, #tpu.memory_space<semaphore_mem>>
      %dma_start3A_710 = arith.constant 0 : i32
      %dma_start3A_711 = tpu.memref_slice %arg4[%arg0, %mul3A_705, %dma_start3A_710] : memref<2x10000x128xf32, #tpu.memory_space<hbm>> -> memref<1x624x128xf32, #tpu.memory_space<hbm>>
      %dma_start3A_712 = tpu.memref_squeeze %dma_start3A_711 : memref<1x624x128xf32, #tpu.memory_space<hbm>> -> memref<624x128xf32, #tpu.memory_space<hbm>>
      %dma_start3A_713 = arith.constant 0 : i32
      %dma_start3A_714 = tpu.memref_slice %arg5[%mul3A_703, %dma_start3A_713] : memref<10000x128xf32, #tpu.memory_space<vmem_shared>> -> memref<624x128xf32, #tpu.memory_space<vmem_shared>>
      tpu.enqueue_dma source(%dma_start3A_714 : memref<624x128xf32, #tpu.memory_space<vmem_shared>>) target(%dma_start3A_712 : memref<624x128xf32, #tpu.memory_space<hbm>>) target_semaphore(%run_scoped3A : memref<!tpu.dma_semaphore, #tpu.memory_space<semaphore_mem>>)
      %dma_wait3A_715 = arith.constant 0 : i32
      %dma_wait3A_716 = tpu.memref_slice %arg4[%arg0, %mul3A_705, %dma_wait3A_715] : memref<2x10000x128xf32, #tpu.memory_space<hbm>> -> memref<1x624x128xf32, #tpu.memory_space<hbm>>
      %dma_wait3A_717 = tpu.memref_squeeze %dma_wait3A_716 : memref<1x624x128xf32, #tpu.memory_space<hbm>> -> memref<624x128xf32, #tpu.memory_space<hbm>>
      %dma_wait3A_718 = arith.constant 0 : i32
      %dma_wait3A_719 = tpu.memref_slice %arg5[%mul3A_703, %dma_wait3A_718] : memref<10000x128xf32, #tpu.memory_space<vmem_shared>> -> memref<624x128xf32, #tpu.memory_space<vmem_shared>>
      tpu.wait_dma2 semaphore(%run_scoped3A : memref<!tpu.dma_semaphore, #tpu.memory_space<semaphore_mem>>) src(%dma_wait3A_719 : memref<624x128xf32, #tpu.memory_space<vmem_shared>>) dst(%dma_wait3A_717 : memref<624x128xf32, #tpu.memory_space<hbm>>)
      tpu.yield
    }) : () -> ()
    %eq3A = arith.constant 15 : i32
    %eq3A_706 = arith.cmpi eq, %arg1, %eq3A : i32
    %convert_element_type3A_707 = arith.extui %eq3A_706 : i1 to i32
    %cond3A_708 = arith.constant 0 : i32
    %cond3A_709 = arith.cmpi ne, %convert_element_type3A_707, %cond3A_708 : i32
    scf.if %cond3A_709 {
      "tpu.region"() ({
        %run_scoped3A = tpu.sem_alloc : memref<!tpu.dma_semaphore, #tpu.memory_space<semaphore_mem>>
        %dma_start3A_710 = arith.constant 9984 : i32
        %dma_start3A_711 = arith.constant 0 : i32
        %dma_start3A_712 = tpu.memref_slice %arg4[%arg0, %dma_start3A_710, %dma_start3A_711] : memref<2x10000x128xf32, #tpu.memory_space<hbm>> -> memref<1x16x128xf32, #tpu.memory_space<hbm>>
        %dma_start3A_713 = tpu.memref_squeeze %dma_start3A_712 : memref<1x16x128xf32, #tpu.memory_space<hbm>> -> memref<16x128xf32, #tpu.memory_space<hbm>>
        %dma_start3A_714 = arith.constant 9984 : i32
        %dma_start3A_715 = arith.constant 0 : i32
        %dma_start3A_716 = tpu.memref_slice %arg5[%dma_start3A_714, %dma_start3A_715] : memref<10000x128xf32, #tpu.memory_space<vmem_shared>> -> memref<16x128xf32, #tpu.memory_space<vmem_shared>>
        tpu.enqueue_dma source(%dma_start3A_716 : memref<16x128xf32, #tpu.memory_space<vmem_shared>>) target(%dma_start3A_713 : memref<16x128xf32, #tpu.memory_space<hbm>>) target_semaphore(%run_scoped3A : memref<!tpu.dma_semaphore, #tpu.memory_space<semaphore_mem>>)
        %dma_wait3A_717 = arith.constant 9984 : i32
        %dma_wait3A_718 = arith.constant 0 : i32
        %dma_wait3A_719 = tpu.memref_slice %arg4[%arg0, %dma_wait3A_717, %dma_wait3A_718] : memref<2x10000x128xf32, #tpu.memory_space<hbm>> -> memref<1x16x128xf32, #tpu.memory_space<hbm>>
        %dma_wait3A_720 = tpu.memref_squeeze %dma_wait3A_719 : memref<1x16x128xf32, #tpu.memory_space<hbm>> -> memref<16x128xf32, #tpu.memory_space<hbm>>
        %dma_wait3A_721 = arith.constant 9984 : i32
        %dma_wait3A_722 = arith.constant 0 : i32
        %dma_wait3A_723 = tpu.memref_slice %arg5[%dma_wait3A_721, %dma_wait3A_722] : memref<10000x128xf32, #tpu.memory_space<vmem_shared>> -> memref<16x128xf32, #tpu.memory_space<vmem_shared>>
        tpu.wait_dma2 semaphore(%run_scoped3A : memref<!tpu.dma_semaphore, #tpu.memory_space<semaphore_mem>>) src(%dma_wait3A_723 : memref<16x128xf32, #tpu.memory_space<vmem_shared>>) dst(%dma_wait3A_720 : memref<16x128xf32, #tpu.memory_space<hbm>>)
        tpu.yield
      }) : () -> ()
    } else {
    }
    return
  }
}

module attributes {stable_mosaic.version = 14 : i64} {
  func.func @_bn_relu_body(%arg0: memref<2x10000x128xf32, #tpu.memory_space<vmem>>, %arg1: memref<10000x128xf32, #tpu.memory_space<vmem>>, %arg2: memref<1x128xf32, #tpu.memory_space<vmem>>, %arg3: memref<1x128xf32, #tpu.memory_space<vmem>>, %arg4: memref<10000x128xf32, #tpu.memory_space<vmem>>) attributes {dimension_semantics = [], scalar_prefetch = 0 : i64, scratch_operands = 0 : i64, tpu.core_type = #tpu.core_type<tc>} {
    %get3A = arith.constant 0 : index
    %get3A_0 = arith.constant 0 : index
    %get3A_1 = arith.constant 0 : index
    %get3A_2 = vector.load %arg0[%get3A, %get3A_0, %get3A_1] : memref<2x10000x128xf32, #tpu.memory_space<vmem>>, vector<1x10000x128xf32>
    %get3A_3 = vector.shape_cast %get3A_2 : vector<1x10000x128xf32> to vector<10000x128xf32>
    %get3A_4 = arith.constant 1 : index
    %get3A_5 = arith.constant 0 : index
    %get3A_6 = arith.constant 0 : index
    %get3A_7 = vector.load %arg0[%get3A_4, %get3A_5, %get3A_6] : memref<2x10000x128xf32, #tpu.memory_space<vmem>>, vector<1x10000x128xf32>
    %get3A_8 = vector.shape_cast %get3A_7 : vector<1x10000x128xf32> to vector<10000x128xf32>
    %add3A = arith.addf %get3A_3, %get3A_8 : vector<10000x128xf32>
    %get3A_9 = arith.constant 0 : index
    %get3A_10 = arith.constant 0 : index
    %get3A_11 = vector.load %arg1[%get3A_9, %get3A_10] : memref<10000x128xf32, #tpu.memory_space<vmem>>, vector<10000x128xf32>
    %add3A_12 = arith.addf %add3A, %get3A_11 : vector<10000x128xf32>
    %reduce_sum3A = arith.constant dense<0.000000e+00> : vector<128xf32>
    %reduce_sum3A_13 = vector.multi_reduction <add>, %add3A_12, %reduce_sum3A [0] : vector<10000x128xf32> to vector<128xf32>
    %broadcast_in_dim3A = vector.shape_cast %reduce_sum3A_13 : vector<128xf32> to vector<1x128xf32>
    %div3A = arith.constant 1.000000e+04 : f32
    %div3A_14 = vector.broadcast %div3A : f32 to vector<1x128xf32>
    %div3A_15 = arith.divf %broadcast_in_dim3A, %div3A_14 : vector<1x128xf32>
    %sub3A = vector.broadcast %div3A_15 : vector<1x128xf32> to vector<10000x128xf32>
    %sub3A_16 = arith.subf %add3A_12, %sub3A : vector<10000x128xf32>
    %mul3A = arith.mulf %sub3A_16, %sub3A_16 : vector<10000x128xf32>
    %reduce_sum3A_17 = arith.constant dense<0.000000e+00> : vector<128xf32>
    %reduce_sum3A_18 = vector.multi_reduction <add>, %mul3A, %reduce_sum3A_17 [0] : vector<10000x128xf32> to vector<128xf32>
    %broadcast_in_dim3A_19 = vector.shape_cast %reduce_sum3A_18 : vector<128xf32> to vector<1x128xf32>
    %div3A_20 = arith.constant 1.000000e+04 : f32
    %div3A_21 = vector.broadcast %div3A_20 : f32 to vector<1x128xf32>
    %div3A_22 = arith.divf %broadcast_in_dim3A_19, %div3A_21 : vector<1x128xf32>
    %add3A_23 = arith.constant 9.99999974E-6 : f32
    %add3A_24 = vector.broadcast %add3A_23 : f32 to vector<1x128xf32>
    %add3A_25 = arith.addf %div3A_22, %add3A_24 : vector<1x128xf32>
    %rsqrt3A = math.rsqrt %add3A_25 : vector<1x128xf32>
    %mul3A_26 = vector.broadcast %rsqrt3A : vector<1x128xf32> to vector<10000x128xf32>
    %mul3A_27 = arith.mulf %sub3A_16, %mul3A_26 : vector<10000x128xf32>
    %get3A_28 = arith.constant 0 : index
    %get3A_29 = arith.constant 0 : index
    %get3A_30 = vector.load %arg2[%get3A_28, %get3A_29] : memref<1x128xf32, #tpu.memory_space<vmem>>, vector<1x128xf32>
    %mul3A_31 = vector.broadcast %get3A_30 : vector<1x128xf32> to vector<10000x128xf32>
    %mul3A_32 = arith.mulf %mul3A_27, %mul3A_31 : vector<10000x128xf32>
    %get3A_33 = arith.constant 0 : index
    %get3A_34 = arith.constant 0 : index
    %get3A_35 = vector.load %arg3[%get3A_33, %get3A_34] : memref<1x128xf32, #tpu.memory_space<vmem>>, vector<1x128xf32>
    %add3A_36 = vector.broadcast %get3A_35 : vector<1x128xf32> to vector<10000x128xf32>
    %add3A_37 = arith.addf %mul3A_32, %add3A_36 : vector<10000x128xf32>
    %max3A = arith.constant 0.000000e+00 : f32
    %max3A_38 = vector.broadcast %max3A : f32 to vector<10000x128xf32>
    %max3A_39 = arith.maximumf %add3A_37, %max3A_38 : vector<10000x128xf32>
    %swap3A = arith.constant 0 : index
    %swap3A_40 = arith.constant 0 : index
    %swap3A_41 = vector.load %arg4[%swap3A, %swap3A_40] : memref<10000x128xf32, #tpu.memory_space<vmem>>, vector<10000x128xf32>
    tpu.vector_store %arg4[%swap3A, %swap3A_40], %max3A_39 {strides = array<i32>} : memref<10000x128xf32, #tpu.memory_space<vmem>>, vector<10000x128xf32>,
    return
  }
}

</mosaic_0001>

<sc_bundles>
// kernel: kernel.4.cloned.1.call-start
scs
__scs_entry_jumppad:
0x0: {  	(pc) =	sbr.rel $0x88, $3  }
0x1: {  	(tag) =	ssettag $0x0;
	lr =	simm.s32 $0x1  }
0x2: {  	[smem:$0x3F9C] =	sst lr;
	_ =	strace $0xD0000000  }
0x3: {  	_ = 	snop  }
0x4: {  	_ = 	snop  }
0x5: {  	_ = 	snop  }
0x6: {  	_ = 	snop  }
0x7: {  	_ = 	snop  }
__scs_overlays_trampoline_lowered:
0x8: {  	[smem:$0x3FAB] =	sst s0  }
0x9: {  	[smem:$0x3FAC] =	sst s1  }
0xa: {  	[smem:$0x3FAD] =	sst s2  }
0xb: {  	[smem:$0x3FAE] =	sst s3  }
0xc: {  	[smem:$0x3FAF] =	sst s4  }
0xd: {  	[smem:$0x3FB0] =	sst s5  }
0xe: {  	[smem:$0x3FB1] =	sst s6  }
0xf: {  	[smem:$0x3FB2] =	sst s7  }
0x10: {  	[smem:$0x3FB3] =	sst s8  }
0x11: {  	[smem:$0x3FB4] =	sst s9;
	s0 =	simm.s32 @!p0 $0x0  }
0x12: {  	s1 =	sld [smem:$0x3F9A];
	s0 =	simm.s32 @p0 $0x1  }
0x13: {  	[smem:$0x3FB5] =	sst s0;
	s0 =	simm.s32 @!p1 $0x0  }
0x14: {  	s2 =	sld [smem:$0x3F99];
	s0 =	simm.s32 @p1 $0x1  }
0x15: {  	[smem:$0x3FB6] =	sst s0;
	s0 =	simm.s32 @!p2 $0x0  }
0x16: {  	s3 =	sld [smem:$0x3FDB];
	s0 =	simm.s32 @p2 $0x1  }
0x17: {  	s4 =	simm.s32 $0x1BF5;
	[smem:$0x3FB8] =	sst s0  }
0x18: {  	s0 =	sld [smem:$0x3F9B];
	_ =	swait.ge [sflag:s4], $0x0  }
0x19: {  	s7 =	sld [smem:$0x3F9C]  }
0x1a: {  	s8 =	sadd.s32 $0xFFFFE003, lr  }
0x1b: {  	s9 =	sadd.s32 $0xFFFFFEF7, lr;
	s5 =	simm.s32 $0xFFFFFFFF;
	p2 =	slt.u32 s8, $0xFFFFF086  }
0x1c: {  	p1 =	slt.u32 s9, $0xF7A;
	s5 =	simm.s32 @!p2 $0x0  }
0x1d: {  	s5 =	simm.s32 @p1 $0x1;
	p0 =	seq.s32 s7, s2  }
0x1e: {  	s7 =	smul.u32 @!p0 $0xF7A, s2;
	p2 =	seq.s32 @!p0 s5, $0x0  }
0x1f: {  	s9 =	smul.u32 $0xF7A, s1;
	s8 =	simm.s32 @!p0 $0x1BF5;
	p2 =	por !p2, p0  }
0x20: {  	[sflag:s8] =	ssyncset.s32 @!p0 $0xFFFFF086;
	s6 =	sadd.s32 @!p0 s3, s7;
	s7 =	simm.s32 @!p0 $0x108  }
0x21: {  	s3 =	sadd.s32 s3, s9;
	s6 =	sadd.s32 @!p0 $0x88, s6;
	s7 =	simm.s32 @p2 $0x1082  }
0x22: {  	[simem:s7], [sflag:s8] =	dma.local @!p0 [hbm:s6], $0xF7A  }
0x23: {  	s9 =	sor.u32 $0xD0000000, s2;
	s6 =	simm.s32 $0x108;
	_ =	swait.ge @!p0 [sflag:s8], $0x0  }
0x24: {  	s3 =	sadd.s32 $0x88, s3;
	s6 =	simm.s32 @!p1 $0x1082;
	[sflag:s4] =	ssyncset.s32 $0xFFFFF086  }
0x25: {  	[simem:s6], [sflag:s4] =	dma.local [hbm:s3], $0xF7A  }
0x26: {  	[smem:$0x3F9C] =	sst s1;
	(tag) =	ssettag s2;
	_ =	strace s9  }
0x27: {  	s1 =	sld [smem:$0x3FAC]  }
0x28: {  	s2 =	sld [smem:$0x3FAD]  }
0x29: {  	s4 =	sld [smem:$0x3FAF]  }
0x2a: {  	p0 =	seq.s32 s5, $0x0;
	s5 =	sld [smem:$0x3FB0]  }
0x2b: {  	s6 =	sld [smem:$0x3FB1]  }
0x2c: {  	s7 =	sld [smem:$0x3FB2]  }
0x2d: {  	s3 =	simm.s32 $0x108;
	s8 =	sld [smem:$0x3FB3]  }
0x2e: {  	s3 =	simm.s32 @!p0 $0x1082;
	s9 =	sld [smem:$0x3FB4]  }
0x2f: {  	lr =	sadd.s32 s0, s3;
	s0 =	sld [smem:$0x3FAB]  }
0x30: {  	s3 =	sld [smem:$0x3FAE]  }
0x31: {  	[smem:$0x3FB7] =	sst s10  }
0x32: {  	s10 =	sld [smem:$0x3FB5];
	_ =	sdelay $0x3  }
0x33: {  	p0 =	seq.s32 s10, $0x1;
	s10 =	sld [smem:$0x3FB7];
	_ =	sdelay $0x3  }
0x34: {  	[smem:$0x3FB7] =	sst s10  }
0x35: {  	s10 =	sld [smem:$0x3FB6];
	_ =	sdelay $0x3  }
0x36: {  	p1 =	seq.s32 s10, $0x1;
	s10 =	sld [smem:$0x3FB7];
	_ =	sdelay $0x3  }
0x37: {  	[smem:$0x3FB7] =	sst s10  }
0x38: {  	s10 =	sld [smem:$0x3FB8]  }
0x39: {  	_ = 	snop;
	(pc) =	sbr.ind lr, $3  }
0x3a: {  	_ = 	snop  }
0x3b: {  	_ = 	snop  }
0x3c: {  	p2 =	seq.s32 s10, $0x1;
	s10 =	sld [smem:$0x3FB7]  }
0x3d: {  	_ =	shalt  }
0x3e: {  	_ =	shalt  }
0x3f: {  	_ =	shalt  }
0x40: {  	_ =	shalt  }
0x41: {  	_ =	shalt  }
0x42: {  	_ =	shalt  }
0x43: {  	_ =	shalt  }
0x44: {  	_ =	shalt  }
0x45: {  	_ =	shalt  }
0x46: {  	_ =	shalt  }
0x47: {  	_ =	shalt  }
0x48: {  	_ =	shalt  }
0x49: {  	_ =	shalt  }
0x4a: {  	_ =	shalt  }
0x4b: {  	_ =	shalt  }
0x4c: {  	_ =	shalt  }
0x4d: {  	_ =	shalt  }
0x4e: {  	_ =	shalt  }
0x4f: {  	_ =	shalt  }
0x50: {  	_ =	shalt  }
0x51: {  	_ =	shalt  }
0x52: {  	_ =	shalt  }
0x53: {  	_ =	shalt  }
0x54: {  	_ =	shalt  }
0x55: {  	_ =	shalt  }
0x56: {  	_ =	shalt  }
0x57: {  	_ =	shalt  }
0x58: {  	_ =	shalt  }
0x59: {  	_ =	shalt  }
0x5a: {  	_ =	shalt  }
0x5b: {  	_ =	shalt  }
0x5c: {  	_ =	shalt  }
0x5d: {  	_ =	shalt  }
0x5e: {  	_ =	shalt  }
0x5f: {  	_ =	shalt  }
0x60: {  	_ =	shalt  }
0x61: {  	_ =	shalt  }
0x62: {  	_ =	shalt  }
0x63: {  	_ =	shalt  }
0x64: {  	_ =	shalt  }
0x65: {  	_ =	shalt  }
0x66: {  	_ =	shalt  }
0x67: {  	_ =	shalt  }
0x68: {  	_ =	shalt  }
0x69: {  	_ =	shalt  }
0x6a: {  	_ =	shalt  }
0x6b: {  	_ =	shalt  }
0x6c: {  	_ =	shalt  }
0x6d: {  	_ =	shalt  }
0x6e: {  	_ =	shalt  }
0x6f: {  	_ =	shalt  }
0x70: {  	_ =	shalt  }
0x71: {  	_ =	shalt  }
0x72: {  	_ =	shalt  }
0x73: {  	_ =	shalt  }
0x74: {  	_ =	shalt  }
0x75: {  	_ =	shalt  }
0x76: {  	_ =	shalt  }
0x77: {  	_ =	shalt  }
0x78: {  	_ =	shalt  }
0x79: {  	_ =	shalt  }
0x7a: {  	_ =	shalt  }
0x7b: {  	_ =	shalt  }
0x7c: {  	_ =	shalt  }
0x7d: {  	_ =	shalt  }
0x7e: {  	_ =	shalt  }
0x7f: {  	_ =	shalt  }
0x80: {  	_ =	shalt  }
0x81: {  	_ =	shalt  }
0x82: {  	_ =	shalt  }
0x83: {  	_ =	shalt  }
0x84: {  	_ =	shalt  }
0x85: {  	_ =	shalt  }
0x86: {  	_ =	shalt  }
0x87: {  	_ =	shalt  }
.Lfunc_end0:
.L_simem_size_0:
called_computation_lowered:
.L_overlay_start_0:
0x88: {  	s2 =	sld [smem:$0x3FD9]  }
0x89: {  	s3 =	sld [smem:$0x3FFE];
	_ =	sdelay $0x1  }
0x8a: {  	s1 =	srdreg.scid  }
0x8b: {  	s0 =	sand.u32 $0x1, s1  }
0x8c: {  	s17 =	sshll.u32 s0, $0xA;
	s2 =	sadd.s32 s3, s2  }
0x8d: {  	s2 =	sadd.s32 s2, s17  }
0x8e: {  	[smem:$0x3FC3] =	sst s2  }
0x8f: {  	_ = 	snop  }
0x90: {  	s2 =	sld [smem:$0x3FC8]  }
0x91: {  	s18 =	sld [smem:$0x3FD0];
	(tm) =	ssettm $0x1  }
0x92: {  	s4 =	sld [smem:$0x3FFB];
	_ =	sdelay $0x3  }
0x93: {  	_ =	strace s4  }
0x94: {  	s4 =	sld [smem:$0x3FFC];
	_ =	sdelay $0x3  }
0x95: {  	_ =	strace s4  }
0x96: {  	s4 =	sld [smem:$0x3FFD];
	_ =	sdelay $0x3  }
0x97: {  	_ =	strace s4  }
0x98: {  	_ =	strace $0x8FFFFFFF  }
0x99: {  	s19 =	sld [smem:$0x3FDB];
	_ =	sdelay $0x1  }
0x9a: {  	s5 =	simm.s32 $_scs_section_size  }
0x9b: {  	s6 =	simm.s32 $_size__tile_overlayer_lowered;
	s7 =	simm.s32 $_tile_overlayer_lowered  }
0x9c: {  	s22 =	simm.s32 $0x1BFF;
	s21 =	sshll.u32 s7, $0x1;
	s4 =	sadd.s32 s5, s19  }
0x9d: {  	s8 =	simm.s32 $0x0;
	s20 =	sshll.u32 s6, $0x1;
	s6 =	sadd.s32 s21, s4  }
0x9e: {  	[timem:s8], [sflag:s22] =	dma.local [hbm:s6], s20  }
0x9f: {  	_ =	swait.ge [sflag:s22], s20  }
0xa0: {  	s5 =	ssub.s32 $0x0, s20;
	[sflag:s22] =	ssyncset.done $0x0  }
0xa1: {  	[sflag:s22] =	ssyncadd.s32 s5;
	_ =	sdelay $0x1  }
0xa2: {  	s23 =	simm.s32 $0x1B8B  }
0xa3: {  	_ =	swait.ge [sflag:s23], $0x1  }
0xa4: {  	[sflag:s23] =	ssyncset.done $0x0  }
0xa5: {  	s25 =	simm.s32 $0x1B8E;
	s24 =	sld [smem:$0x3FFE];
	[sflag:s23] =	ssyncadd.s32 $0xFFFFFFFF  }
0xa6: {  	s26 =	simm.s32 $execute0_lowered;
	[smem:$0x3FD2] =	sst s25  }
0xa7: {  	s6 =	sshll.u32 s26, $0x1;
	_ =	strace $0x80000046;
	[dreg:$0x1] =	wrdreg $0xFFFFFFFF  }
0xa8: {  	s28 =	simm.s32 $_size_execute0_lowered;
	s4 =	sadd.s32 s4, s6;
	[dreg:$0x0] =	wrdreg $0x0  }
0xa9: {  	s6 =	sshll.u32 s28, $0x1;
	[dreg:$0x2] =	wrdreg s4  }
0xaa: {  	[dreg:$0x3] =	wrdreg s6  }
0xab: {  	[dreg:$0x4] =	wrdreg $0xC0  }
0xac: {  	_ =	task [dreg:s8], $0x5FFFF  }
0xad: {  	[dreg:$0x1] =	wrdreg $0xFFFFFFFF  }
0xae: {  	[dreg:$0x0] =	wrdreg $0x60  }
0xaf: {  	[dreg:$0x2] =	wrdreg s18  }
0xb0: {  	[dreg:$0x3] =	wrdreg s2  }
0xb1: {  	[dreg:$0x4] =	wrdreg s24  }
0xb2: {  	[dreg:$0x5] =	wrdreg $0x0  }
0xb3: {  	[dreg:$0x6] =	wrdreg $0x9  }
0xb4: {  	_ =	task.clear_ibuf [dreg:s8], $0x7FFFF;
	_ =	strace $0x90000046  }
0xb5: {  	s29 =	simm.s32 $0x9;
	_ =	strace $0x80000048  }
0xb6: {  	_ =	swait.ge [sflag:s29], $0x1  }
0xb7: {  	[sflag:s29] =	ssyncadd.s32 $0xFFFFFFFF  }
0xb8: {  	_ =	strace $0x90000048  }
0xb9: {  	_ =	sfence  }
0xba: {  	s30 =	sld [smem:$0x0];
	_ =	sdelay $0x2  }
0xbb: {  	s31 =	sshll.u32 s1, $0xD;
	s1 =	sshrl.u32 s1, $0x2  }
0xbc: {  	s3 =	sand.u32 $0x4000, s31;
	s1 =	sadd.s32 s1, s30  }
0xbd: {  	s0 =	sor.u32 s3, s0;
	s1 =	sshll.u32 s1, $0x11  }
0xbe: {  	s0 =	sor.u32 s1, s0  }
0xbf: {  	s0 =	sadd.s32 $0x8F2B, s0  }
0xc0: {  	[sflag:s0] =	ssyncadd.remote.s32 $0x1  }
0xc1: {  	_ =	sfence.sel $0xFFFF  }
0xc2: {  	[dreg:$0x0] =	wrdreg $0xFFFFFFFF;
	(pc) =	sbr.abs _section_cstart, $3  }
0xc3: {  	[dreg:$0x1] =	wrdreg $0xFFFFFFFF  }
0xc4: {  	_ =	task.clear_ibuf [dreg:s8], $0x2FFFF;
	_ =	strace $0x9FFFFFFF  }
0xc5: {  	(tm) =	ssettm $0x7FFFFFFF  }
tec
execute0_lowered:
.L_overlay_start_1:
0x0: {  	(tag) =	ssettag $0x1  }
0x1: {  	s11 =	stileid.u32  }
0x2: {  	s1 =	rddreg [dreg:$0x0];
	s8 =	smul.u32 $0x4E000, s11  }
0x3: {  	s0 =	rddreg [dreg:$0x1]  }
0x4: {  	s3 =	rddreg [dreg:$0x3];
	s8 =	sshrl.u32 s8, $0x2  }
0x5: {  	s4 =	rddreg [dreg:$0x2];
	s7 =	simm.s32 $0x0;
	s8 =	sadd.s32 s8, s3  }
0x6: {  	[smem:$0x7FF] =	sst s7;
	s12 =	sadd.s32 $0x800, s8  }
0x7: {  	_ =	strace $0x80000047;
	s24 =	sadd.s32 $0x1000, s8;
	[dreg:$0x5] =	wrdreg s12  }
0x8: {  	s25 =	sadd.s32 $0x1800, s8;
	[dreg:$0x6] =	wrdreg s24  }
0x9: {  	s26 =	sadd.s32 $0x2000, s8;
	[dreg:$0x7] =	wrdreg s25  }
0xa: {  	s2 =	srdreg.scid;
	s13 =	sadd.s32 $0x2800, s8;
	[dreg:$0x8] =	wrdreg s26  }
0xb: {  	s2 =	sand.u32 $0x1, s2;
	s14 =	sadd.s32 $0x3000, s8;
	[dreg:$0x9] =	wrdreg s13  }
0xc: {  	s5 =	sshll.u32 s2, $0x4;
	s15 =	sadd.s32 $0x3800, s8;
	[dreg:$0xa] =	wrdreg s14  }
0xd: {  	s22 =	ssub.s32 $0x2, s2;
	s16 =	sadd.s32 $0x4000, s8;
	[dreg:$0xb] =	wrdreg s15  }
0xe: {  	s6 =	sor.u32 s11, s5;
	s17 =	sadd.s32 $0x4800, s8;
	[dreg:$0xc] =	wrdreg s16  }
0xf: {  	s9 =	sshrl.u32 s22, $0x1;
	s18 =	sadd.s32 $0x5000, s8;
	[dreg:$0xd] =	wrdreg s17  }
0x10: {  	s5 =	smul.u32 $0x4E, s6;
	s19 =	sadd.s32 $0x5800, s8;
	[dreg:$0xe] =	wrdreg s18  }
0x11: {  	s7 =	ssub.s32 s22, s9;
	s20 =	sadd.s32 $0x6000, s8;
	[dreg:$0xf] =	wrdreg s19  }
0x12: {  	s23 =	smin.u32 s6, $0x4;
	s22 =	sadd.s32 $0x6800, s8;
	[dreg:$0x10] =	wrdreg s20  }
0x13: {  	p0 =	sgt.u32 s6, $0x3;
	s6 =	sadd.s32 $0x9800, s8;
	[dreg:$0x11] =	wrdreg s22  }
0x14: {  	s9 =	sadd.s32 s23, s5;
	s23 =	sadd.s32 $0x7000, s8;
	[dreg:$0x18] =	wrdreg s6  }
0x15: {  	s29 =	simm.s32 $0x1E080;
	s24 =	sadd.s32 $0x7800, s8;
	[dreg:$0x13] =	wrdreg s23  }
0x16: {  	s30 =	simm.s32 $0x1;
	s25 =	sadd.s32 $0x8000, s8;
	[dreg:$0x14] =	wrdreg s24  }
0x17: {  	s31 =	simm.s32 $0x13880;
	s26 =	sadd.s32 $0x8800, s8;
	[dreg:$0x15] =	wrdreg s25  }
0x18: {  	s4 =	sadd.s32 $0x1200, s4;
	s12 =	sadd.s32 $0xB000, s8;
	[dreg:$0x16] =	wrdreg s26  }
0x19: {  	s10 =	smul.u32 $0x13800, s11;
	s13 =	sadd.s32 $0xB800, s8;
	[dreg:$0x1b] =	wrdreg s12  }
0x1a: {  	p1 =	sne.s32 s11, $0xF;
	s14 =	sadd.s32 $0xC000, s8;
	[dreg:$0x1c] =	wrdreg s13  }
0x1b: {  	s2 =	smul.u32 $0x138800, s2;
	s15 =	sadd.s32 $0xC800, s8;
	[dreg:$0x1d] =	wrdreg s14  }
0x1c: {  	s5 =	sadd.s32 s10, s3;
	s16 =	sadd.s32 $0xD000, s8;
	[dreg:$0x1e] =	wrdreg s15  }
0x1d: {  	s10 =	sadd.s32 s10, s2;
	s17 =	sadd.s32 $0xD800, s8;
	[dreg:$0x1f] =	wrdreg s16  }
0x1e: {  	s2 =	sshrl.u32 s2, $0x3;
	s19 =	sadd.s32 $0xE000, s8;
	[smem:$0x7F5] =	sst s17  }
0x1f: {  	s20 =	sadd.s32 $0xE800, s8;
	s22 =	sadd.s32 $0xF800, s8;
	[smem:$0x7F6] =	sst s19  }
0x20: {  	s6 =	simm.s32 $0x16080;
	s9 =	sshll.u32 s9, $0x4;
	[smem:$0x7F7] =	sst s20  }
0x21: {  	s21 =	sshrl.u32 s10, $0x3;
	s10 =	sadd.s32 $0xA800, s8;
	[smem:$0x7F9] =	sst s22  }
0x22: {  	s23 =	sadd.s32 $0x10000, s8;
	s24 =	sadd.s32 $0x10800, s8;
	[dreg:$0x1a] =	wrdreg s10  }
0x23: {  	s25 =	sadd.s32 $0x11000, s8;
	s26 =	sadd.s32 $0x11800, s8;
	[smem:$0x7FA] =	sst s23  }
0x24: {  	s15 =	sadd.s32 $0x12000, s8;
	s16 =	sadd.s32 $0x12800, s8;
	[smem:$0x7FB] =	sst s24  }
0x25: {  	s17 =	sadd.s32 $0x13000, s8;
	s19 =	sadd.s32 $0x13800, s8;
	[smem:$0x7FC] =	sst s25  }
0x26: {  	s18 =	sadd.s32 s1, s9;
	s1 =	sadd.s32 s4, s21;
	[smem:$0x7FD] =	sst s26  }
0x27: {  	s9 =	sadd.s32 $0xA000, s8;
	s21 =	sadd.s32 $0xF000, s8;
	[dreg:$0x12] =	wrdreg s1  }
0x28: {  	s10 =	simm.s32 $0x0;
	s1 =	sadd.s32 s4, s2;
	[dreg:$0x19] =	wrdreg s9  }
0x29: {  	s4 =	sadd.s32 $0x9000, s8;
	[smem:$0x7F8] =	sst s21;
	s21 =	smax.u32 s7, $0x1  }
0x2a: {  	s23 =	sadd.s32 $0x9C40, s18;
	s24 =	sadd.s32 $0x280, s18;
	s25 =	sadd.s32 $0x9EC0, s18  }
0x2b: {  	s26 =	sadd.s32 $0x4E0, s18;
	s28 =	sadd.s32 $0xA120, s18;
	s2 =	simm.s32 $0x14C80  }
0x2c: {  	s7 =	simm.s32 $0x13900;
	s8 =	simm.s32 $0x1A080;
	s9 =	simm.s32 $0x2  }
0x2d: {  	[dreg:$0x17] =	wrdreg s4;
	s20 =	sadd.s32 $0x27000, s1;
	s1 =	sadd.s32 $0x138000, s3  }
0x2e: {  	v0 =	vimm.f32 $0.0e+00;
	s4 =	simm.s32 $0x80;
	s22 =	sshrl.u32 @!p1 s1, $0x3;
	s1 =	simm.s32 $0x3  }
.LBB2_1:
0x2f: {  	s11 =	simm.s32 $0x0;
	s12 =	simm.s32 $0x200  }
.LBB2_2:
0x30: {  	p2 =	sne.s32 s12, $0x1E00;
	[tilespmem:s11+$0x1E0F0] =	vst v0  }
0x31: {  	[tilespmem:s11+$0x1E080] =	vst v0  }
0x32: {  	[tilespmem:s11+$0x1E090] =	vst v0  }
.Ltmp0:
0x33: {  	[tilespmem:s11+$0x1E0A0] =	vst v0;
	(pc) =	sbr.rel @p2 .LBB2_2-.Ltmp0, $4  }
0x34: {  	[tilespmem:s11+$0x1E0B0] =	vst v0  }
0x35: {  	[tilespmem:s11+$0x1E0C0] =	vst v0  }
0x36: {  	[tilespmem:s11+$0x1E0D0] =	vst v0  }
0x37: {  	[tilespmem:s11+$0x1E0E0] =	vst v0;
	s11 =	sshra.s32 s12, $0x2;
	s12 =	sadd.s32 $0x200, s12  }
0x38: {  	[tilespmem:s11+$0x1E0F0] =	vst v0  }
0x39: {  	[tilespmem:s11+$0x1E080] =	vst v0  }
0x3a: {  	[tilespmem:s11+$0x1E090] =	vst v0  }
0x3b: {  	[tilespmem:s11+$0x1E0A0] =	vst v0  }
0x3c: {  	[tilespmem:s11+$0x1E0B0] =	vst v0  }
0x3d: {  	[tilespmem:s11+$0x1E0C0] =	vst v0  }
0x3e: {  	[tilespmem:s11+$0x1E0D0] =	vst v0  }
0x3f: {  	[tilespmem:s11+$0x1E0E0] =	vst v0;
	s12 =	rddreg [dreg:$0x5]  }
0x40: {  	[spmem:s5] =	stream.linear.scatter [tilespmem:s29], [sflag:$0x1], $0x800, $0x38;
	[tilespmem:$0x1E880] =	vst v63  }
0x41: {  	s13 =	rddreg [dreg:$0x6]  }
0x42: {  	[spmem:s12] =	stream.linear.scatter [tilespmem:s29], [sflag:$0x1], $0x800, $0x38;
	[tilespmem:$0x1E880] =	vst v63  }
0x43: {  	s14 =	rddreg [dreg:$0x7]  }
0x44: {  	[spmem:s13] =	stream.linear.scatter [tilespmem:s29], [sflag:$0x1], $0x800, $0x38;
	[tilespmem:$0x1E880] =	vst v63  }
0x45: {  	s12 =	rddreg [dreg:$0x8]  }
0x46: {  	[spmem:s14] =	stream.linear.scatter [tilespmem:s29], [sflag:$0x1], $0x800, $0x38;
	[tilespmem:$0x1E880] =	vst v63  }
0x47: {  	s13 =	rddreg [dreg:$0x9]  }
0x48: {  	[spmem:s12] =	stream.linear.scatter [tilespmem:s29], [sflag:$0x1], $0x800, $0x38;
	[tilespmem:$0x1E880] =	vst v63  }
0x49: {  	s14 =	rddreg [dreg:$0xa]  }
0x4a: {  	[spmem:s13] =	stream.linear.scatter [tilespmem:s29], [sflag:$0x1], $0x800, $0x38;
	[tilespmem:$0x1E880] =	vst v63  }
0x4b: {  	s12 =	rddreg [dreg:$0xb]  }
0x4c: {  	[spmem:s14] =	stream.linear.scatter [tilespmem:s29], [sflag:$0x1], $0x800, $0x38;
	[tilespmem:$0x1E880] =	vst v63  }
0x4d: {  	s13 =	rddreg [dreg:$0xc]  }
0x4e: {  	[spmem:s12] =	stream.linear.scatter [tilespmem:s29], [sflag:$0x1], $0x800, $0x38;
	[tilespmem:$0x1E880] =	vst v63  }
0x4f: {  	s14 =	rddreg [dreg:$0xd]  }
0x50: {  	[spmem:s13] =	stream.linear.scatter [tilespmem:s29], [sflag:$0x1], $0x800, $0x38;
	[tilespmem:$0x1E880] =	vst v63  }
0x51: {  	s12 =	rddreg [dreg:$0xe]  }
0x52: {  	[spmem:s14] =	stream.linear.scatter [tilespmem:s29], [sflag:$0x1], $0x800, $0x38;
	[tilespmem:$0x1E880] =	vst v63  }
0x53: {  	s13 =	rddreg [dreg:$0xf]  }
0x54: {  	[spmem:s12] =	stream.linear.scatter [tilespmem:s29], [sflag:$0x1], $0x800, $0x38;
	[tilespmem:$0x1E880] =	vst v63  }
0x55: {  	s14 =	rddreg [dreg:$0x10]  }
0x56: {  	[spmem:s13] =	stream.linear.scatter [tilespmem:s29], [sflag:$0x1], $0x800, $0x38;
	[tilespmem:$0x1E880] =	vst v63  }
0x57: {  	s12 =	rddreg [dreg:$0x11]  }
0x58: {  	[spmem:s14] =	stream.linear.scatter [tilespmem:s29], [sflag:$0x1], $0x800, $0x38;
	[tilespmem:$0x1E880] =	vst v63  }
0x59: {  	s13 =	rddreg [dreg:$0x13]  }
0x5a: {  	[spmem:s12] =	stream.linear.scatter [tilespmem:s29], [sflag:$0x1], $0x800, $0x38;
	[tilespmem:$0x1E880] =	vst v63  }
0x5b: {  	s14 =	rddreg [dreg:$0x14]  }
0x5c: {  	[spmem:s13] =	stream.linear.scatter [tilespmem:s29], [sflag:$0x1], $0x800, $0x38;
	[tilespmem:$0x1E880] =	vst v63  }
0x5d: {  	s12 =	rddreg [dreg:$0x15]  }
0x5e: {  	[spmem:s14] =	stream.linear.scatter [tilespmem:s29], [sflag:$0x1], $0x800, $0x38;
	[tilespmem:$0x1E880] =	vst v63  }
0x5f: {  	s13 =	rddreg [dreg:$0x16]  }
0x60: {  	[spmem:s12] =	stream.linear.scatter [tilespmem:s29], [sflag:$0x1], $0x800, $0x38;
	[tilespmem:$0x1E880] =	vst v63  }
0x61: {  	s14 =	rddreg [dreg:$0x17]  }
0x62: {  	[spmem:s13] =	stream.linear.scatter [tilespmem:s29], [sflag:$0x1], $0x800, $0x38;
	[tilespmem:$0x1E880] =	vst v63  }
0x63: {  	s12 =	rddreg [dreg:$0x18]  }
0x64: {  	[spmem:s14] =	stream.linear.scatter [tilespmem:s29], [sflag:$0x1], $0x800, $0x38;
	[tilespmem:$0x1E880] =	vst v63  }
0x65: {  	s13 =	rddreg [dreg:$0x19]  }
0x66: {  	[spmem:s12] =	stream.linear.scatter [tilespmem:s29], [sflag:$0x1], $0x800, $0x38;
	[tilespmem:$0x1E880] =	vst v63  }
0x67: {  	s14 =	rddreg [dreg:$0x1a]  }
0x68: {  	[spmem:s13] =	stream.linear.scatter [tilespmem:s29], [sflag:$0x1], $0x800, $0x38;
	[tilespmem:$0x1E880] =	vst v63  }
0x69: {  	s12 =	rddreg [dreg:$0x1b]  }
0x6a: {  	[spmem:s14] =	stream.linear.scatter [tilespmem:s29], [sflag:$0x1], $0x800, $0x38;
	[tilespmem:$0x1E880] =	vst v63  }
0x6b: {  	s13 =	rddreg [dreg:$0x1c]  }
0x6c: {  	[spmem:s12] =	stream.linear.scatter [tilespmem:s29], [sflag:$0x1], $0x800, $0x38;
	[tilespmem:$0x1E880] =	vst v63  }
0x6d: {  	s14 =	rddreg [dreg:$0x1d]  }
0x6e: {  	[spmem:s13] =	stream.linear.scatter [tilespmem:s29], [sflag:$0x1], $0x800, $0x38;
	[tilespmem:$0x1E880] =	vst v63  }
0x6f: {  	s12 =	rddreg [dreg:$0x1e]  }
0x70: {  	[spmem:s14] =	stream.linear.scatter [tilespmem:s29], [sflag:$0x1], $0x800, $0x38;
	[tilespmem:$0x1E880] =	vst v63  }
0x71: {  	s13 =	rddreg [dreg:$0x1f]  }
0x72: {  	[spmem:s12] =	stream.linear.scatter [tilespmem:s29], [sflag:$0x1], $0x800, $0x38;
	[tilespmem:$0x1E880] =	vst v63  }
0x73: {  	s14 =	sld [smem:$0x7F5]  }
0x74: {  	[spmem:s13] =	stream.linear.scatter [tilespmem:s29], [sflag:$0x1], $0x800, $0x38;
	[tilespmem:$0x1E880] =	vst v63  }
0x75: {  	s12 =	sld [smem:$0x7F6]  }
0x76: {  	[spmem:s14] =	stream.linear.scatter [tilespmem:s29], [sflag:$0x1], $0x800, $0x38;
	[tilespmem:$0x1E880] =	vst v63  }
0x77: {  	s13 =	sld [smem:$0x7F7]  }
0x78: {  	[spmem:s12] =	stream.linear.scatter [tilespmem:s29], [sflag:$0x1], $0x800, $0x38;
	[tilespmem:$0x1E880] =	vst v63  }
0x79: {  	s14 =	sld [smem:$0x7F8]  }
0x7a: {  	[spmem:s13] =	stream.linear.scatter [tilespmem:s29], [sflag:$0x1], $0x800, $0x38;
	[tilespmem:$0x1E880] =	vst v63  }
0x7b: {  	s12 =	sld [smem:$0x7F9]  }
0x7c: {  	[spmem:s14] =	stream.linear.scatter [tilespmem:s29], [sflag:$0x1], $0x800, $0x38;
	[tilespmem:$0x1E880] =	vst v63  }
0x7d: {  	s13 =	sld [smem:$0x7FA]  }
0x7e: {  	[spmem:s12] =	stream.linear.scatter [tilespmem:s29], [sflag:$0x1], $0x800, $0x38;
	[tilespmem:$0x1E880] =	vst v63  }
0x7f: {  	s14 =	sld [smem:$0x7FB]  }
0x80: {  	[spmem:s13] =	stream.linear.scatter [tilespmem:s29], [sflag:$0x1], $0x800, $0x38;
	[tilespmem:$0x1E880] =	vst v63  }
0x81: {  	s12 =	sld [smem:$0x7FC]  }
0x82: {  	[spmem:s14] =	stream.linear.scatter [tilespmem:s29], [sflag:$0x1], $0x800, $0x38;
	[tilespmem:$0x1E880] =	vst v63  }
0x83: {  	s13 =	sld [smem:$0x7FD]  }
0x84: {  	[spmem:s12] =	stream.linear.scatter [tilespmem:s29], [sflag:$0x1], $0x800, $0x38;
	[tilespmem:$0x1E880] =	vst v63  }
0x85: {  	_ = 	snop  }
0x86: {  	[spmem:s13] =	stream.linear.scatter [tilespmem:s29], [sflag:$0x1], $0x800, $0x38;
	[tilespmem:$0x1E880] =	vst v63  }
0x87: {  	_ = 	snop  }
0x88: {  	[spmem:s15] =	stream.linear.scatter [tilespmem:s29], [sflag:$0x1], $0x800, $0x38;
	[tilespmem:$0x1E880] =	vst v63  }
0x89: {  	_ = 	snop  }
0x8a: {  	[spmem:s16] =	stream.linear.scatter [tilespmem:s29], [sflag:$0x1], $0x800, $0x38;
	[tilespmem:$0x1E880] =	vst v63  }
0x8b: {  	_ = 	snop  }
0x8c: {  	[spmem:s17] =	stream.linear.scatter [tilespmem:s29], [sflag:$0x1], $0x800, $0x38;
	[tilespmem:$0x1E880] =	vst v63  }
0x8d: {  	_ = 	snop  }
0x8e: {  	[spmem:s19] =	stream.linear.scatter [tilespmem:s29], [sflag:$0x1], $0x800, $0x38;
	[tilespmem:$0x1E880] =	vst v63  }
0x8f: {  	_ =	swait.ge [sflag:s30], $0x800  }
0x90: {  	[sflag:s30] =	ssyncset.done $0x0  }
0x91: {  	[sflag:s30] =	ssyncadd.s32 $0xFFFFF800  }
0x92: {  	_ =	swait.ge [sflag:s30], $0x800  }
0x93: {  	[sflag:s30] =	ssyncset.done $0x0  }
0x94: {  	[sflag:s30] =	ssyncadd.s32 $0xFFFFF800  }
0x95: {  	_ =	swait.ge [sflag:s30], $0x800  }
0x96: {  	[sflag:s30] =	ssyncset.done $0x0  }
0x97: {  	[sflag:s30] =	ssyncadd.s32 $0xFFFFF800  }
0x98: {  	_ =	swait.ge [sflag:s30], $0x800  }
0x99: {  	[sflag:s30] =	ssyncset.done $0x0  }
0x9a: {  	[sflag:s30] =	ssyncadd.s32 $0xFFFFF800  }
0x9b: {  	_ =	swait.ge [sflag:s30], $0x800  }
0x9c: {  	[sflag:s30] =	ssyncset.done $0x0  }
0x9d: {  	[sflag:s30] =	ssyncadd.s32 $0xFFFFF800  }
0x9e: {  	_ =	swait.ge [sflag:s30], $0x800  }
0x9f: {  	[sflag:s30] =	ssyncset.done $0x0  }
0xa0: {  	[sflag:s30] =	ssyncadd.s32 $0xFFFFF800  }
0xa1: {  	_ =	swait.ge [sflag:s30], $0x800  }
0xa2: {  	[sflag:s30] =	ssyncset.done $0x0  }
0xa3: {  	[sflag:s30] =	ssyncadd.s32 $0xFFFFF800  }
0xa4: {  	_ =	swait.ge [sflag:s30], $0x800  }
0xa5: {  	[sflag:s30] =	ssyncset.done $0x0  }
0xa6: {  	[sflag:s30] =	ssyncadd.s32 $0xFFFFF800  }
0xa7: {  	_ =	swait.ge [sflag:s30], $0x800  }
0xa8: {  	[sflag:s30] =	ssyncset.done $0x0  }
0xa9: {  	[sflag:s30] =	ssyncadd.s32 $0xFFFFF800  }
0xaa: {  	_ =	swait.ge [sflag:s30], $0x800  }
0xab: {  	[sflag:s30] =	ssyncset.done $0x0  }
0xac: {  	[sflag:s30] =	ssyncadd.s32 $0xFFFFF800  }
0xad: {  	_ =	swait.ge [sflag:s30], $0x800  }
0xae: {  	[sflag:s30] =	ssyncset.done $0x0  }
0xaf: {  	[sflag:s30] =	ssyncadd.s32 $0xFFFFF800  }
0xb0: {  	_ =	swait.ge [sflag:s30], $0x800  }
0xb1: {  	[sflag:s30] =	ssyncset.done $0x0  }
0xb2: {  	[sflag:s30] =	ssyncadd.s32 $0xFFFFF800  }
0xb3: {  	_ =	swait.ge [sflag:s30], $0x800  }
0xb4: {  	[sflag:s30] =	ssyncset.done $0x0  }
0xb5: {  	[sflag:s30] =	ssyncadd.s32 $0xFFFFF800  }
0xb6: {  	_ =	swait.ge [sflag:s30], $0x800  }
0xb7: {  	[sflag:s30] =	ssyncset.done $0x0  }
0xb8: {  	[sflag:s30] =	ssyncadd.s32 $0xFFFFF800  }
0xb9: {  	_ =	swait.ge [sflag:s30], $0x800  }
0xba: {  	[sflag:s30] =	ssyncset.done $0x0  }
0xbb: {  	[sflag:s30] =	ssyncadd.s32 $0xFFFFF800  }
0xbc: {  	_ =	swait.ge [sflag:s30], $0x800  }
0xbd: {  	[sflag:s30] =	ssyncset.done $0x0  }
0xbe: {  	[sflag:s30] =	ssyncadd.s32 $0xFFFFF800  }
0xbf: {  	_ =	swait.ge [sflag:s30], $0x800  }
0xc0: {  	[sflag:s30] =	ssyncset.done $0x0  }
0xc1: {  	[sflag:s30] =	ssyncadd.s32 $0xFFFFF800  }
0xc2: {  	_ =	swait.ge [sflag:s30], $0x800  }
0xc3: {  	[sflag:s30] =	ssyncset.done $0x0  }
0xc4: {  	[sflag:s30] =	ssyncadd.s32 $0xFFFFF800  }
0xc5: {  	_ =	swait.ge [sflag:s30], $0x800  }
0xc6: {  	[sflag:s30] =	ssyncset.done $0x0  }
0xc7: {  	[sflag:s30] =	ssyncadd.s32 $0xFFFFF800  }
0xc8: {  	_ =	swait.ge [sflag:s30], $0x800  }
0xc9: {  	[sflag:s30] =	ssyncset.done $0x0  }
0xca: {  	[sflag:s30] =	ssyncadd.s32 $0xFFFFF800  }
0xcb: {  	_ =	swait.ge [sflag:s30], $0x800  }
0xcc: {  	[sflag:s30] =	ssyncset.done $0x0  }
0xcd: {  	[sflag:s30] =	ssyncadd.s32 $0xFFFFF800  }
0xce: {  	_ =	swait.ge [sflag:s30], $0x800  }
0xcf: {  	[sflag:s30] =	ssyncset.done $0x0  }
0xd0: {  	[sflag:s30] =	ssyncadd.s32 $0xFFFFF800  }
0xd1: {  	_ =	swait.ge [sflag:s30], $0x800  }
0xd2: {  	[sflag:s30] =	ssyncset.done $0x0  }
0xd3: {  	[sflag:s30] =	ssyncadd.s32 $0xFFFFF800  }
0xd4: {  	_ =	swait.ge [sflag:s30], $0x800  }
0xd5: {  	[sflag:s30] =	ssyncset.done $0x0  }
0xd6: {  	[sflag:s30] =	ssyncadd.s32 $0xFFFFF800  }
0xd7: {  	_ =	swait.ge [sflag:s30], $0x800  }
0xd8: {  	[sflag:s30] =	ssyncset.done $0x0  }
0xd9: {  	[sflag:s30] =	ssyncadd.s32 $0xFFFFF800  }
0xda: {  	_ =	swait.ge [sflag:s30], $0x800  }
0xdb: {  	[sflag:s30] =	ssyncset.done $0x0  }
0xdc: {  	[sflag:s30] =	ssyncadd.s32 $0xFFFFF800  }
0xdd: {  	_ =	swait.ge [sflag:s30], $0x800  }
0xde: {  	[sflag:s30] =	ssyncset.done $0x0  }
0xdf: {  	[sflag:s30] =	ssyncadd.s32 $0xFFFFF800  }
0xe0: {  	_ =	swait.ge [sflag:s30], $0x800  }
0xe1: {  	[sflag:s30] =	ssyncset.done $0x0  }
0xe2: {  	[sflag:s30] =	ssyncadd.s32 $0xFFFFF800  }
0xe3: {  	_ =	swait.ge [sflag:s30], $0x800  }
0xe4: {  	[sflag:s30] =	ssyncset.done $0x0  }
0xe5: {  	[sflag:s30] =	ssyncadd.s32 $0xFFFFF800  }
0xe6: {  	_ =	swait.ge [sflag:s30], $0x800  }
0xe7: {  	[sflag:s30] =	ssyncset.done $0x0  }
0xe8: {  	[sflag:s30] =	ssyncadd.s32 $0xFFFFF800  }
0xe9: {  	_ =	swait.ge [sflag:s30], $0x800  }
0xea: {  	[sflag:s30] =	ssyncset.done $0x0  }
0xeb: {  	[sflag:s30] =	ssyncadd.s32 $0xFFFFF800  }
0xec: {  	_ =	swait.ge [sflag:s30], $0x800  }
0xed: {  	[sflag:s30] =	ssyncset.done $0x0  }
0xee: {  	[sflag:s30] =	ssyncadd.s32 $0xFFFFF800  }
0xef: {  	_ =	swait.ge [sflag:s30], $0x800  }
0xf0: {  	[sflag:s30] =	ssyncset.done $0x0  }
0xf1: {  	[sflag:s30] =	ssyncadd.s32 $0xFFFFF800  }
0xf2: {  	_ =	swait.ge [sflag:s30], $0x800  }
0xf3: {  	[sflag:s30] =	ssyncset.done $0x0  }
0xf4: {  	[sflag:s30] =	ssyncadd.s32 $0xFFFFF800  }
0xf5: {  	_ =	swait.ge [sflag:s30], $0x800  }
0xf6: {  	[sflag:s30] =	ssyncset.done $0x0  }
0xf7: {  	[sflag:s30] =	ssyncadd.s32 $0xFFFFF800  }
0xf8: {  	_ =	swait.ge [sflag:s30], $0x800  }
0xf9: {  	[sflag:s30] =	ssyncset.done $0x0  }
0xfa: {  	[sflag:s30] =	ssyncadd.s32 $0xFFFFF800  }
0xfb: {  	_ =	swait.ge [sflag:s30], $0x800  }
0xfc: {  	[sflag:s30] =	ssyncset.done $0x0  }
0xfd: {  	[sflag:s30] =	ssyncadd.s32 $0xFFFFF800  }
0xfe: {  	_ =	swait.ge [sflag:s30], $0x800  }
0xff: {  	[sflag:s30] =	ssyncset.done $0x0  }
0x100: {  	[sflag:s30] =	ssyncadd.s32 $0xFFFFF800  }
0x101: {  	_ =	swait.ge [sflag:s30], $0x800  }
0x102: {  	[sflag:s30] =	ssyncset.done $0x0  }
0x103: {  	[sflag:s30] =	ssyncadd.s32 $0xFFFFF800  }
0x104: {  	_ =	swait.ge [sflag:s30], $0x800  }
0x105: {  	[sflag:s30] =	ssyncset.done $0x0  }
0x106: {  	[sflag:s30] =	ssyncadd.s32 $0xFFFFF800  }
0x107: {  	s14 =	simm.s32 $0x0;
	[bflag:$0x0] =	sbarrier.arrive $0xFFFF  }
0x108: {  	[tilespmem:s31], [sflag:$0x3] =	stream.linear.gather [hbm4b:s18+s14], $0x1400, $0x38;
	[tilespmem:$0x1E880] =	vst v63  }
0x109: {  	_ =	swait.ge [sflag:s1], $0x1400  }
0x10a: {  	[sflag:s1] =	ssyncset.done $0x0  }
0x10b: {  	[sflag:s1] =	ssyncadd.s32 $0xFFFFEC00  }
0x10c: {  	[tilespmem:s2], [sflag:$0x3] =	stream.linear.gather [hbm4b:s23+s14], $0x1400, $0x38;
	[tilespmem:$0x1E880] =	vst v63  }
0x10d: {  	_ =	swait.ge [sflag:s1], $0x1400  }
0x10e: {  	[sflag:s1] =	ssyncset.done $0x0  }
0x10f: {  	[sflag:s1] =	ssyncadd.s32 $0xFFFFEC00  }
0x110: {  	[tilespmem:s6], [sflag:$0x1] =	stream.indirect.gather [hbm4b:s0+s4], $0x80, s31, s4, $0xb8;
	[tilespmem:$0x1E880] =	vst v63  }
0x111: {  	_ = 	snop  }
0x112: {  	[tilespmem:s8], [sflag:$0x2] =	stream.indirect.gather [hbm4b:s0+s4], $0x80, s7, s4, $0xb8;
	[tilespmem:$0x1E880] =	vst v63  }
0x113: {  	_ =	swait.ge [sflag:s30], $0x4000  }
0x114: {  	[sflag:s30] =	ssyncset.done $0x0  }
0x115: {  	s12 =	simm.s32 $0x14C80;
	[sflag:s30] =	ssyncadd.s32 $0xFFFFC000  }
0x116: {  	[spmem:s3] =	stream.indirect.scatter.add.f32 [tilespmem:s6], [sflag:$0x3], $0x80, s12, s4, $0xb8;
	[tilespmem:$0x1E880] =	vst v63  }
0x117: {  	_ =	swait.ge [sflag:s1], $0x4000  }
0x118: {  	[sflag:s1] =	ssyncset.done $0x0  }
0x119: {  	s13 =	simm.s32 $0x13980;
	[sflag:s1] =	ssyncadd.s32 $0xFFFFC000  }
0x11a: {  	[tilespmem:s6], [sflag:$0x1] =	stream.indirect.gather [hbm4b:s0+s4], $0x80, s13, s4, $0xb8;
	[tilespmem:$0x1E880] =	vst v63  }
0x11b: {  	_ =	swait.ge [sflag:s9], $0x4000  }
0x11c: {  	[sflag:s9] =	ssyncset.done $0x0  }
0x11d: {  	s14 =	simm.s32 $0x14D00;
	[sflag:s9] =	ssyncadd.s32 $0xFFFFC000  }
0x11e: {  	[spmem:s3] =	stream.indirect.scatter.add.f32 [tilespmem:s8], [sflag:$0x3], $0x80, s14, s4, $0xb8;
	[tilespmem:$0x1E880] =	vst v63  }
0x11f: {  	_ =	swait.ge [sflag:s1], $0x4000  }
0x120: {  	[sflag:s1] =	ssyncset.done $0x0  }
0x121: {  	s11 =	simm.s32 $0x400;
	s12 =	simm.s32 $0x13A00;
	[sflag:s1] =	ssyncadd.s32 $0xFFFFC000  }
.LBB2_4:
0x122: {  	[tilespmem:s8], [sflag:$0x2] =	stream.indirect.gather [hbm4b:s0+s4], $0x80, s12, s4, $0xb8;
	[tilespmem:$0x1E880] =	vst v63  }
0x123: {  	s12 =	smov.u32 s11  }
0x124: {  	p2 =	sne.s32 s11, $0x4800;
	s11 =	sadd.s32 $0x400, s11;
	_ =	swait.ge [sflag:s30], $0x4000  }
0x125: {  	s12 =	sshra.s32 s12, $0x2;
	[sflag:s30] =	ssyncset.done $0x0  }
0x126: {  	s13 =	sadd.s32 $0x14C80, s12;
	[sflag:s30] =	ssyncadd.s32 $0xFFFFC000  }
0x127: {  	[spmem:s3] =	stream.indirect.scatter.add.f32 [tilespmem:s6], [sflag:$0x3], $0x80, s13, s4, $0xb8;
	[tilespmem:$0x1E880] =	vst v63  }
0x128: {  	_ =	swait.ge [sflag:s1], $0x4000  }
0x129: {  	[sflag:s1] =	ssyncset.done $0x0  }
0x12a: {  	s13 =	sadd.s32 $0x13980, s12;
	[sflag:s1] =	ssyncadd.s32 $0xFFFFC000  }
0x12b: {  	[tilespmem:s6], [sflag:$0x1] =	stream.indirect.gather [hbm4b:s0+s4], $0x80, s13, s4, $0xb8;
	[tilespmem:$0x1E880] =	vst v63  }
0x12c: {  	_ =	swait.ge [sflag:s9], $0x4000  }
0x12d: {  	[sflag:s9] =	ssyncset.done $0x0  }
.Ltmp1:
0x12e: {  	s13 =	sadd.s32 $0x14D00, s12;
	[sflag:s9] =	ssyncadd.s32 $0xFFFFC000;
	(pc) =	sbr.rel @p2 .LBB2_4-.Ltmp1, $4  }
0x12f: {  	[spmem:s3] =	stream.indirect.scatter.add.f32 [tilespmem:s8], [sflag:$0x3], $0x80, s13, s4, $0xb8;
	[tilespmem:$0x1E880] =	vst v63  }
0x130: {  	_ =	swait.ge [sflag:s1], $0x4000  }
0x131: {  	[sflag:s1] =	ssyncset.done $0x0  }
0x132: {  	s12 =	sadd.s32 $0x13A00, s12;
	[sflag:s1] =	ssyncadd.s32 $0xFFFFC000  }
0x133: {  	[tilespmem:s8], [sflag:$0x2] =	stream.indirect.gather [hbm4b:s0+s4], $0x80, s12, s4, $0xb8;
	[tilespmem:$0x1E880] =	vst v63  }
0x134: {  	_ =	swait.ge [sflag:s30], $0x4000  }
0x135: {  	[sflag:s30] =	ssyncset.done $0x0  }
0x136: {  	s11 =	simm.s32 $0x15F80;
	[sflag:s30] =	ssyncadd.s32 $0xFFFFC000  }
0x137: {  	[spmem:s3] =	stream.indirect.scatter.add.f32 [tilespmem:s6], [sflag:$0x3], $0x80, s11, s4, $0xb8;
	[tilespmem:$0x1E880] =	vst v63  }
0x138: {  	_ =	swait.ge [sflag:s1], $0x4000  }
0x139: {  	[sflag:s1] =	ssyncset.done $0x0  }
0x13a: {  	[sflag:s1] =	ssyncadd.s32 $0xFFFFC000  }
0x13b: {  	_ =	swait.ge [sflag:s9], $0x4000  }
0x13c: {  	[sflag:s9] =	ssyncset.done $0x0  }
0x13d: {  	s13 =	simm.s32 $0x16000;
	[sflag:s9] =	ssyncadd.s32 $0xFFFFC000  }
0x13e: {  	[spmem:s3] =	stream.indirect.scatter.add.f32 [tilespmem:s8], [sflag:$0x3], $0x80, s13, s4, $0xb8;
	[tilespmem:$0x1E880] =	vst v63  }
0x13f: {  	_ =	swait.ge [sflag:s1], $0x4000  }
0x140: {  	[sflag:s1] =	ssyncset.done $0x0  }
0x141: {  	s14 =	simm.s32 $0x0;
	[sflag:s1] =	ssyncadd.s32 $0xFFFFC000  }
0x142: {  	[tilespmem:s31], [sflag:$0x3] =	stream.linear.gather [hbm4b:s24+s14], $0x1300, $0x38;
	[tilespmem:$0x1E880] =	vst v63  }
0x143: {  	_ =	swait.ge [sflag:s1], $0x1300  }
0x144: {  	[sflag:s1] =	ssyncset.done $0x0  }
0x145: {  	[sflag:s1] =	ssyncadd.s32 $0xFFFFED00  }
0x146: {  	[tilespmem:s2], [sflag:$0x3] =	stream.linear.gather [hbm4b:s25+s14], $0x1300, $0x38;
	[tilespmem:$0x1E880] =	vst v63  }
0x147: {  	_ =	swait.ge [sflag:s1], $0x1300  }
0x148: {  	[sflag:s1] =	ssyncset.done $0x0  }
0x149: {  	s12 =	simm.s32 @!p0 $0x14B80;
	s11 =	simm.s32 @!p0 $0x0;
	[sflag:s1] =	ssyncadd.s32 $0xFFFFED00  }
0x14a: {  	[tilespmem:s12], [sflag:$0x3] =	stream.linear.gather @!p0 [hbm4b:s26+s11], $0x80, $0x38;
	[tilespmem:$0x1E880] =	vst v63  }
0x14b: {  	s12 =	simm.s32 @!p0 $0x3  }
0x14c: {  	_ =	swait.ge @!p0 [sflag:s12], $0x80  }
0x14d: {  	[sflag:s12] =	ssyncset.done @!p0 $0x0  }
0x14e: {  	s13 =	simm.s32 @!p0 $0x15F80;
	[sflag:s12] =	ssyncadd.s32 @!p0 $0xFFFFFF80  }
0x14f: {  	[tilespmem:s13], [sflag:$0x3] =	stream.linear.gather @!p0 [hbm4b:s28+s11], $0x80, $0x38;
	[tilespmem:$0x1E880] =	vst v63  }
0x150: {  	_ =	swait.ge @!p0 [sflag:s12], $0x80  }
0x151: {  	[sflag:s12] =	ssyncset.done @!p0 $0x0  }
0x152: {  	[sflag:s12] =	ssyncadd.s32 @!p0 $0xFFFFFF80  }
0x153: {  	[tilespmem:s6], [sflag:$0x1] =	stream.indirect.gather [hbm4b:s0+s4], $0x80, s31, s4, $0xb8;
	[tilespmem:$0x1E880] =	vst v63  }
0x154: {  	_ = 	snop  }
0x155: {  	[tilespmem:s8], [sflag:$0x2] =	stream.indirect.gather [hbm4b:s0+s4], $0x80, s7, s4, $0xb8;
	[tilespmem:$0x1E880] =	vst v63  }
0x156: {  	_ =	swait.ge [sflag:s30], $0x4000  }
0x157: {  	[sflag:s30] =	ssyncset.done $0x0  }
0x158: {  	s12 =	simm.s32 $0x14C80;
	[sflag:s30] =	ssyncadd.s32 $0xFFFFC000  }
0x159: {  	[spmem:s3] =	stream.indirect.scatter.add.f32 [tilespmem:s6], [sflag:$0x3], $0x80, s12, s4, $0xb8;
	[tilespmem:$0x1E880] =	vst v63  }
0x15a: {  	_ =	swait.ge [sflag:s1], $0x4000  }
0x15b: {  	[sflag:s1] =	ssyncset.done $0x0  }
0x15c: {  	s13 =	simm.s32 $0x13980;
	[sflag:s1] =	ssyncadd.s32 $0xFFFFC000  }
0x15d: {  	[tilespmem:s6], [sflag:$0x1] =	stream.indirect.gather [hbm4b:s0+s4], $0x80, s13, s4, $0xb8;
	[tilespmem:$0x1E880] =	vst v63  }
0x15e: {  	_ =	swait.ge [sflag:s9], $0x4000  }
0x15f: {  	[sflag:s9] =	ssyncset.done $0x0  }
0x160: {  	s14 =	simm.s32 $0x14D00;
	[sflag:s9] =	ssyncadd.s32 $0xFFFFC000  }
0x161: {  	[spmem:s3] =	stream.indirect.scatter.add.f32 [tilespmem:s8], [sflag:$0x3], $0x80, s14, s4, $0xb8;
	[tilespmem:$0x1E880] =	vst v63  }
0x162: {  	_ =	swait.ge [sflag:s1], $0x4000  }
0x163: {  	[sflag:s1] =	ssyncset.done $0x0  }
0x164: {  	s11 =	simm.s32 $0x400;
	s12 =	simm.s32 $0x13A00;
	[sflag:s1] =	ssyncadd.s32 $0xFFFFC000  }
.LBB2_6:
0x165: {  	[tilespmem:s8], [sflag:$0x2] =	stream.indirect.gather [hbm4b:s0+s4], $0x80, s12, s4, $0xb8;
	[tilespmem:$0x1E880] =	vst v63  }
0x166: {  	s12 =	smov.u32 s11  }
0x167: {  	p2 =	sne.s32 s11, $0x4400;
	s11 =	sadd.s32 $0x400, s11;
	_ =	swait.ge [sflag:s30], $0x4000  }
0x168: {  	s12 =	sshra.s32 s12, $0x2;
	[sflag:s30] =	ssyncset.done $0x0  }
0x169: {  	s13 =	sadd.s32 $0x14C80, s12;
	[sflag:s30] =	ssyncadd.s32 $0xFFFFC000  }
0x16a: {  	[spmem:s3] =	stream.indirect.scatter.add.f32 [tilespmem:s6], [sflag:$0x3], $0x80, s13, s4, $0xb8;
	[tilespmem:$0x1E880] =	vst v63  }
0x16b: {  	_ =	swait.ge [sflag:s1], $0x4000  }
0x16c: {  	[sflag:s1] =	ssyncset.done $0x0  }
0x16d: {  	s13 =	sadd.s32 $0x13980, s12;
	[sflag:s1] =	ssyncadd.s32 $0xFFFFC000  }
0x16e: {  	[tilespmem:s6], [sflag:$0x1] =	stream.indirect.gather [hbm4b:s0+s4], $0x80, s13, s4, $0xb8;
	[tilespmem:$0x1E880] =	vst v63  }
0x16f: {  	_ =	swait.ge [sflag:s9], $0x4000  }
0x170: {  	[sflag:s9] =	ssyncset.done $0x0  }
.Ltmp2:
0x171: {  	s13 =	sadd.s32 $0x14D00, s12;
	[sflag:s9] =	ssyncadd.s32 $0xFFFFC000;
	(pc) =	sbr.rel @p2 .LBB2_6-.Ltmp2, $4  }
0x172: {  	[spmem:s3] =	stream.indirect.scatter.add.f32 [tilespmem:s8], [sflag:$0x3], $0x80, s13, s4, $0xb8;
	[tilespmem:$0x1E880] =	vst v63  }
0x173: {  	_ =	swait.ge [sflag:s1], $0x4000  }
0x174: {  	[sflag:s1] =	ssyncset.done $0x0  }
0x175: {  	s12 =	sadd.s32 $0x13A00, s12;
	[sflag:s1] =	ssyncadd.s32 $0xFFFFC000  }
0x176: {  	[tilespmem:s8], [sflag:$0x2] =	stream.indirect.gather [hbm4b:s0+s4], $0x80, s12, s4, $0xb8;
	[tilespmem:$0x1E880] =	vst v63  }
0x177: {  	_ =	swait.ge [sflag:s30], $0x4000  }
0x178: {  	[sflag:s30] =	ssyncset.done $0x0  }
0x179: {  	s11 =	simm.s32 $0x15E80;
	[sflag:s30] =	ssyncadd.s32 $0xFFFFC000  }
0x17a: {  	[spmem:s3] =	stream.indirect.scatter.add.f32 [tilespmem:s6], [sflag:$0x3], $0x80, s11, s4, $0xb8;
	[tilespmem:$0x1E880] =	vst v63  }
0x17b: {  	_ =	swait.ge [sflag:s1], $0x4000  }
0x17c: {  	[sflag:s1] =	ssyncset.done $0x0  }
0x17d: {  	s11 =	simm.s32 @p0 $0x2;
	[sflag:s1] =	ssyncadd.s32 $0xFFFFC000  }
0x17e: {  	_ =	swait.ge @p0 [sflag:s11], $0x4000  }
0x17f: {  	s12 =	simm.s32 @p0 $0x15F00;
	[sflag:s11] =	ssyncset.done @p0 $0x0  }
0x180: {  	s13 =	simm.s32 @p0 $0x1A080;
	[sflag:s11] =	ssyncadd.s32 @p0 $0xFFFFC000;
	s11 =	simm.s32 @p0 $0x80  }
0x181: {  	[spmem:s3] =	stream.indirect.scatter.add.f32 @p0 [tilespmem:s13], [sflag:$0x3], $0x80, s12, s11, $0xb8;
	[tilespmem:$0x1E880] =	vst v63  }
0x182: {  	s11 =	simm.s32 @!p0 $0x80;
	s12 =	simm.s32 @!p0 $0x14B80;
	s13 =	simm.s32 @!p0 $0x16080  }
0x183: {  	[tilespmem:s13], [sflag:$0x1] =	stream.indirect.gather @!p0 [hbm4b:s0+s11], $0x80, s12, s11, $0xb8;
	[tilespmem:$0x1E880] =	vst v63  }
0x184: {  	s12 =	simm.s32 @!p0 $0x2  }
0x185: {  	_ =	swait.ge @!p0 [sflag:s12], $0x4000  }
0x186: {  	[sflag:s12] =	ssyncset.done @!p0 $0x0  }
0x187: {  	s14 =	simm.s32 @!p0 $0x1A080;
	[sflag:s12] =	ssyncadd.s32 @!p0 $0xFFFFC000;
	s12 =	simm.s32 @!p0 $0x15F00  }
0x188: {  	[spmem:s3] =	stream.indirect.scatter.add.f32 @!p0 [tilespmem:s14], [sflag:$0x3], $0x80, s12, s11, $0xb8;
	[tilespmem:$0x1E880] =	vst v63  }
0x189: {  	s12 =	simm.s32 @!p0 $0x3  }
0x18a: {  	_ =	swait.ge @!p0 [sflag:s12], $0x4000  }
0x18b: {  	[sflag:s12] =	ssyncset.done @!p0 $0x0  }
0x18c: {  	[sflag:s12] =	ssyncadd.s32 @!p0 $0xFFFFC000;
	s12 =	simm.s32 @!p0 $0x1  }
0x18d: {  	_ =	swait.ge @!p0 [sflag:s12], $0x4000  }
0x18e: {  	[sflag:s12] =	ssyncset.done @!p0 $0x0  }
0x18f: {  	[sflag:s12] =	ssyncadd.s32 @!p0 $0xFFFFC000;
	s12 =	simm.s32 @!p0 $0x15F80  }
0x190: {  	[spmem:s3] =	stream.indirect.scatter.add.f32 @!p0 [tilespmem:s13], [sflag:$0x3], $0x80, s12, s11, $0xb8;
	[tilespmem:$0x1E880] =	vst v63  }
0x191: {  	_ =	swait.ge [sflag:s1], $0x4000  }
0x192: {  	[sflag:s1] =	ssyncset.done $0x0  }
0x193: {  	s12 =	stileid.u32;
	[sflag:s1] =	ssyncadd.s32 $0xFFFFC000  }
0x194: {  	s11 =	sshll.u32 s12, $0x6;
	[bflag:$0x0] =	sbarrier.arrive $0xFFFF  }
0x195: {  	s13 =	sshrl.u32 s5, $0x3;
	s11 =	sor.u32 $0x1C03, s11;
	s14 =	rddreg [dreg:$0x12]  }
0x196: {  	[hbm:s14], [sflag:s11] =	dma.local [spmem:s13], $0x2700  }
0x197: {  	_ =	swait.ge [sflag:s1], $0x2700  }
0x198: {  	s10 =	sadd.s32 $0x1, s10;
	[sflag:s1] =	ssyncset.done $0x0  }
0x199: {  	p2 =	sne.s32 s10, s21;
	[sflag:s1] =	ssyncadd.s32 $0xFFFFD900  }
0x19a: {  	[hbm:s20], [sflag:s11] =	dma.local @!p1 [spmem:s22], $0x100  }
.Ltmp3:
0x19b: {  	_ = 	snop;
	(pc) =	sbr.rel @p2 .LBB2_1-.Ltmp3, $4  }
0x19c: {  	s11 =	simm.s32 @!p1 $0x3  }
0x19d: {  	_ =	swait.ge @!p1 [sflag:s11], $0x100  }
0x19e: {  	[sflag:s11] =	ssyncset.done @!p1 $0x0  }
0x19f: {  	[sflag:s11] =	ssyncadd.s32 @!p1 $0xFFFFFF00  }
0x1a0: {  	_ =	sfence.sel $0x180000  }
0x1a1: {  	[bflag:$0x0] =	sbarrier.arrive $0xFFFF  }
0x1a2: {  	_ =	strace $0x90000047  }
0x1a3: {  	s0 =	stileid.u32;
	[bflag:$0x2] =	sbarrier.arrive $0xFFFF  }
0x1a4: {  	p0 =	sne.s32 s0, $0x0;
	s0 =	rddreg [dreg:$0x4]  }
0x1a5: {  	s0 =	sadd.s32 @!p0 $0x100000, s0  }
0x1a6: {  	[sflag:s0] =	ssyncadd.tile.s32 @!p0 $0x1;
	_ =	shalt  }
.Lfunc_end2:
_tile_overlayer_lowered:
.L_overlay_start_2:
0x1a7: {  	(tag) =	ssettag $0x2  }
0x1a8: {  	s0 =	rddreg [dreg:$0x0];
	s2 =	stileid.u32  }
0x1a9: {  	s1 =	rddreg [dreg:$0x1];
	p0 =	sne.s32 s2, $0x0  }
0x1aa: {  	s3 =	rddreg [dreg:$0x2];
	[bflag:$0x3] =	sbarrier.arrive $0xFFFF;
	s2 =	simm.s32 @!p0 $0x1C03  }
0x1ab: {  	[timem:s3], [sflag:s2] =	dma.local @!p0 [hbm:s0], s1  }
0x1ac: {  	s0 =	simm.s32 @!p0 $0x3  }
0x1ad: {  	_ =	swait.ge @!p0 [sflag:s0], s1  }
0x1ae: {  	s1 =	ssub.s32 @!p0 $0x0, s1;
	[sflag:s0] =	ssyncset.done @!p0 $0x0  }
0x1af: {  	[sflag:s0] =	ssyncadd.s32 @!p0 s1  }
0x1b0: {  	[bflag:$0x3] =	sbarrier.arrive $0xFFFF  }
0x1b1: {  	_ =	shalt  }

</sc_bundles>
